<compile_context>
chip_gen: v7x
topology: tpu7x:2x2x1
jax: 0.10.2.dev20260603
libtpu: 0.0.44.dev20260713+nightly
codegen_flags: <defaults>
</compile_context>

<pallas_src>
import functools

import jax
import jax.numpy as jnp
from jax import lax
from jax.experimental import pallas as pl
from jax.experimental.pallas import tpu as pltpu
from jax.experimental.pallas import tpu_sc as plsc

N_NODES = 10000
N_PAD = 10240
N_EDGES = 320000
CHUNK = 128
NC, NS = 2, 16
NW = NC * NS
E_PAD = 327680
ROWS_W = E_PAD // (NW * CHUNK)
STRIPE = N_PAD // NS
IN_CH, HID, OUT_CH = 128, 256, 128
BLK = 1024
GRID = N_PAD // BLK

@functools.lru_cache(maxsize=1)
def _sc_kernels():
    mesh = plsc.VectorSubcoreMesh(core_axis_name="c", subcore_axis_name="s")

    @functools.partial(
        pl.kernel,
        mesh=mesh,
        out_type=jax.ShapeDtypeStruct((NC * N_PAD, IN_CH), jnp.float32),
        scratch_types=[
            pltpu.VMEM((ROWS_W, CHUNK), jnp.int32),
            pltpu.VMEM((CHUNK, IN_CH), jnp.float32),
            pltpu.VMEM_SHARED((N_PAD, IN_CH), jnp.float32),
        ],
    )
    def deg_sc(dst_hbm, ones_hbm, z128_hbm, out_hbm, idx_d, ones_v, acc):
        c = lax.axis_index("c")
        s = lax.axis_index("s")
        wid = c * NS + s
        pltpu.sync_copy(ones_hbm, ones_v)
        for k in range(STRIPE // CHUNK):
            pltpu.sync_copy(z128_hbm, acc.at[pl.ds(s * STRIPE + k * CHUNK, CHUNK)])
        plsc.subcore_barrier()
        pltpu.sync_copy(dst_hbm.at[pl.ds(wid * ROWS_W, ROWS_W)], idx_d)

        def body(j, carry):
            pltpu.sync_copy(ones_v, acc.at[idx_d.at[j]], add=True)
            return carry

        lax.fori_loop(0, ROWS_W, body, 0)
        plsc.subcore_barrier()
        pltpu.sync_copy(acc.at[pl.ds(s * STRIPE, STRIPE)],
                        out_hbm.at[pl.ds(c * N_PAD + s * STRIPE, STRIPE)])

    @functools.partial(
        pl.kernel,
        mesh=mesh,
        out_type=jax.ShapeDtypeStruct((NC * N_PAD, IN_CH), jnp.float32),
        scratch_types=[
            pltpu.VMEM((ROWS_W // 2, CHUNK), jnp.int32),
            pltpu.VMEM((ROWS_W // 2, CHUNK), jnp.int32),
            pltpu.VMEM((CHUNK, IN_CH), jnp.float32),
            pltpu.VMEM((CHUNK, IN_CH), jnp.float32),
            pltpu.VMEM_SHARED((N_PAD, IN_CH), jnp.float32),
            pltpu.SemaphoreType.DMA,
            pltpu.SemaphoreType.DMA,
        ],
    )
    def prop_sc(src_hbm, dst_hbm, xp_hbm, z128_hbm, out_hbm,
                idx_s, idx_d, rows0, rows1, acc, sem0, sem1):
        c = lax.axis_index("c")
        s = lax.axis_index("s")
        wid = c * NS + s
        half = ROWS_W // 2
        for k in range(STRIPE // CHUNK):
            pltpu.sync_copy(z128_hbm, acc.at[pl.ds(s * STRIPE + k * CHUNK, CHUNK)])
        plsc.subcore_barrier()
        for h in range(2):
            pltpu.sync_copy(src_hbm.at[pl.ds(wid * ROWS_W + h * half, half)],
                            idx_s)
            pltpu.sync_copy(dst_hbm.at[pl.ds(wid * ROWS_W + h * half, half)],
                            idx_d)
            pltpu.async_copy(xp_hbm.at[idx_s.at[0]], rows0, sem0)

            def body(g, carry):
                pltpu.async_copy(xp_hbm.at[idx_s.at[2 * g + 1]], rows1, sem1)
                pltpu.make_async_copy(xp_hbm.at[idx_s.at[2 * g]],
                                      rows0, sem0).wait()
                pltpu.sync_copy(rows0, acc.at[idx_d.at[2 * g]], add=True)

                @pl.when(g < half // 2 - 1)
                def _():
                    pltpu.async_copy(xp_hbm.at[idx_s.at[2 * g + 2]],
                                     rows0, sem0)

                pltpu.make_async_copy(xp_hbm.at[idx_s.at[2 * g + 1]],
                                      rows1, sem1).wait()
                pltpu.sync_copy(rows1, acc.at[idx_d.at[2 * g + 1]], add=True)
                return carry

            lax.fori_loop(0, half // 2, body, 0)
        plsc.subcore_barrier()
        pltpu.sync_copy(acc.at[pl.ds(s * STRIPE, STRIPE)],
                        out_hbm.at[pl.ds(c * N_PAD + s * STRIPE, STRIPE)])

    return deg_sc, prop_sc


_OFF = N_PAD // BLK


def _dinv(d0_ref, d1_ref):
    return lax.rsqrt(d0_ref[:, 0] + d1_ref[:, 0] + 1.0)


def _scale_body(d0_ref, d1_ref, x_ref, o_ref):
    o_ref[...] = x_ref[...] * _dinv(d0_ref, d1_ref)[:, None]


def _mid_body(d0_ref, d1_ref, p0_ref, p1_ref, xp_ref, w1_ref, b1_ref,
              w2_ref, o_ref):
    dinv = _dinv(d0_ref, d1_ref)
    y = (p0_ref[...] + p1_ref[...] + xp_ref[...]) * dinv[:, None]
    h = jnp.dot(y, w1_ref[...], preferred_element_type=jnp.float32)
    h = jnp.maximum(h + b1_ref[...], 0.0)
    o_ref[...] = jnp.dot(h, w2_ref[...],
                         preferred_element_type=jnp.float32) * dinv[:, None]


def _fin_body(d0_ref, d1_ref, p0_ref, p1_ref, xp_ref, b2_ref, o_ref):
    dinv = _dinv(d0_ref, d1_ref)
    y = (p0_ref[...] + p1_ref[...] + xp_ref[...]) * dinv[:, None]
    o_ref[...] = jnp.maximum(y + b2_ref[...], 0.0)


_row_spec = pl.BlockSpec((BLK, IN_CH), lambda i: (i, 0))
_par0_spec = pl.BlockSpec((BLK, IN_CH), lambda i: (i, 0))
_par1_spec = pl.BlockSpec((BLK, IN_CH), lambda i: (i + _OFF, 0))

_scale_call = pl.pallas_call(
    _scale_body,
    grid=(GRID,),
    in_specs=[_par0_spec, _par1_spec, _row_spec],
    out_specs=_row_spec,
    out_shape=jax.ShapeDtypeStruct((N_NODES, IN_CH), jnp.float32),
)

_mid_call = pl.pallas_call(
    _mid_body,
    grid=(GRID,),
    in_specs=[
        _par0_spec, _par1_spec, _par0_spec, _par1_spec, _row_spec,
        pl.BlockSpec((IN_CH, HID), lambda i: (0, 0)),
        pl.BlockSpec((1, HID), lambda i: (0, 0)),
        pl.BlockSpec((HID, OUT_CH), lambda i: (0, 0)),
    ],
    out_specs=_row_spec,
    out_shape=jax.ShapeDtypeStruct((N_NODES, IN_CH), jnp.float32),
)

_fin_call = pl.pallas_call(
    _fin_body,
    grid=(GRID,),
    in_specs=[_par0_spec, _par1_spec, _par0_spec, _par1_spec, _row_spec,
              pl.BlockSpec((1, OUT_CH), lambda i: (0, 0))],
    out_specs=_row_spec,
    out_shape=jax.ShapeDtypeStruct((N_NODES, IN_CH), jnp.float32),
)


@jax.jit
def kernel(x, edge_index, W1, b1, W2, b2):
    npad = E_PAD - N_EDGES
    pad_d = N_NODES + (jnp.arange(npad, dtype=jnp.int32) % (N_PAD - N_NODES))
    pad_s = jnp.arange(npad, dtype=jnp.int32) % N_NODES
    src = jnp.concatenate([edge_index[0], pad_s]).reshape(E_PAD // CHUNK, CHUNK)
    dst = jnp.concatenate([edge_index[1], pad_d]).reshape(E_PAD // CHUNK, CHUNK)
    ones128 = jnp.ones((CHUNK, IN_CH), jnp.float32)
    z128 = jnp.zeros((CHUNK, IN_CH), jnp.float32)

    deg_sc, prop_sc = _sc_kernels()
    degp = deg_sc(dst, ones128, z128)
    x1 = _scale_call(degp, degp, x)
    p1 = prop_sc(src, dst, x1, z128)
    x2 = _mid_call(degp, degp, p1, p1, x1, W1, b1.reshape(1, HID), W2)
    p2 = prop_sc(src, dst, x2, z128)
    return _fin_call(degp, degp, p2, p2, x2, b2.reshape(1, OUT_CH))

# --- scband reference (transcript-rebuilt; emitter-appended) ---
"""Pipeline reference for scband-model-43224550868016 (READ-ONLY COPY).

The authoritative reference and input builder live on the scoring server;
editing this copy changes nothing except your own understanding.
"""

import jax, jax.numpy as jnp
import numpy as np

N_NODES = 10000
N_EDGES = 320000
IN_CH = 128
OUT_CH = 128
HID = 2 * OUT_CH  # 256, per Encoder: GCN(in, 2*out) -> GCN(2*out, out) with k=2


def _glorot(key, shape):
    limit = float(np.sqrt(6.0 / (shape[0] + shape[1])))
    return jax.random.uniform(key, shape, jnp.float32, -limit, limit)


def setup_inputs(seed: int = 0) -> dict:
    key = jax.random.key(seed)
    k1, k2, k3, k4 = jax.random.split(key, 4)
    x = jax.random.normal(k1, (N_NODES, IN_CH), jnp.float32)
    edge_index = jax.random.randint(k2, (2, N_EDGES), 0, N_NODES, dtype=jnp.int32)
    W1 = _glorot(k3, (IN_CH, HID))
    b1 = jnp.zeros((HID,), jnp.float32)
    W2 = _glorot(k4, (HID, OUT_CH))
    b2 = jnp.zeros((OUT_CH,), jnp.float32)
    return {"x": x, "edge_index": edge_index, "W1": W1, "b1": b1, "W2": W2, "b2": b2}


def gcn_conv(x, edge_index, W, b, num_nodes):
    # Faithful to PyG GCNConv: add self-loops, symmetric normalization, linear, scatter-add, bias.
    src = edge_index[0]
    dst = edge_index[1]
    loop = jnp.arange(num_nodes, dtype=src.dtype)
    src = jnp.concatenate([src, loop])
    dst = jnp.concatenate([dst, loop])
    h = x @ W
    deg = jnp.zeros((num_nodes,), jnp.float32).at[dst].add(1.0)
    deg_inv_sqrt = jnp.where(deg > 0, deg ** -0.5, 0.0)
    norm = deg_inv_sqrt[src] * deg_inv_sqrt[dst]
    msg = h[src] * norm[:, None]
    out = jnp.zeros((num_nodes, h.shape[1]), jnp.float32).at[dst].add(msg)
    return out + b


def reference(x, edge_index, W1, b1, W2, b2):
    # Model.forward == Encoder.forward with k=2 and activation=relu
    h = jax.nn.relu(gcn_conv(x, edge_index, W1, b1, N_NODES))
    h = jax.nn.relu(gcn_conv(h, edge_index, W2, b2, N_NODES))
    return h

if __name__ == "__main__":
    import jax
    _d = setup_inputs()
    print(jax.jit(kernel)(*tuple(_d.values())))

</pallas_src>

<mosaic_0001>
#map = affine_map<(d0, d1) -> (0, 0)>
module attributes {stable_mosaic.version = 14 : i64} {
  func.func @deg_sc(%arg0: i32, %arg1: i32, %arg2: memref<2560x128xi32, #tpu.memory_space<hbm>>, %arg3: memref<128x128xf32, #tpu.memory_space<hbm>>, %arg4: memref<128x128xf32, #tpu.memory_space<hbm>>, %arg5: memref<20480x128xf32, #tpu.memory_space<hbm>>, %arg6: memref<80x128xi32, #tpu.memory_space<vmem>>, %arg7: memref<128x128xf32, #tpu.memory_space<vmem>>, %arg8: memref<10240x128xf32, #tpu.memory_space<vmem_shared>>) attributes {dimension_semantics = [#tpu.dimension_semantics<core_parallel>, #tpu.dimension_semantics<subcore_parallel>], iteration_bounds = array<i64: 2, 16>, scalar_prefetch = 0 : i64, scratch_operands = 3 : i64, tpu.core_type = #tpu.core_type<sc_vector_subcore>, window_params = [{transform_indices = #map}, {transform_indices = #map}, {transform_indices = #map}, {transform_indices = #map}]} {
    %mul3A = arith.constant 16 : i32
    %mul3A_0 = arith.muli %arg0, %mul3A : i32
    %add3A = arith.addi %mul3A_0, %arg1 : i32
    "tpu.region"() ({
      %run_scoped3A = tpu.sem_alloc : memref<!tpu.dma_semaphore, #tpu.memory_space<semaphore_mem>>
      tpu.enqueue_dma source(%arg3 : memref<128x128xf32, #tpu.memory_space<hbm>>) target(%arg7 : memref<128x128xf32, #tpu.memory_space<vmem>>) target_semaphore(%run_scoped3A : memref<!tpu.dma_semaphore, #tpu.memory_space<semaphore_mem>>)
      tpu.wait_dma2 semaphore(%run_scoped3A : memref<!tpu.dma_semaphore, #tpu.memory_space<semaphore_mem>>) src(%arg3 : memref<128x128xf32, #tpu.memory_space<hbm>>) dst(%arg7 : memref<128x128xf32, #tpu.memory_space<vmem>>)
      tpu.yield
    }) : () -> ()
    %mul3A_1 = arith.constant 640 : i32
    %mul3A_2 = arith.muli %arg1, %mul3A_1 : i32
    %add3A_3 = arith.constant 0 : i32
    %add3A_4 = arith.addi %mul3A_2, %add3A_3 : i32
    "tpu.region"() ({
      %run_scoped3A = tpu.sem_alloc : memref<!tpu.dma_semaphore, #tpu.memory_space<semaphore_mem>>
      %dma_start3A = arith.constant 0 : i32
      %dma_start3A_36 = tpu.memref_slice %arg8[%add3A_4, %dma_start3A] : memref<10240x128xf32, #tpu.memory_space<vmem_shared>> -> memref<128x128xf32, #tpu.memory_space<vmem_shared>>
      tpu.enqueue_dma source(%arg4 : memref<128x128xf32, #tpu.memory_space<hbm>>) target(%dma_start3A_36 : memref<128x128xf32, #tpu.memory_space<vmem_shared>>) target_semaphore(%run_scoped3A : memref<!tpu.dma_semaphore, #tpu.memory_space<semaphore_mem>>)
      %dma_wait3A = arith.constant 0 : i32
      %dma_wait3A_37 = tpu.memref_slice %arg8[%add3A_4, %dma_wait3A] : memref<10240x128xf32, #tpu.memory_space<vmem_shared>> -> memref<128x128xf32, #tpu.memory_space<vmem_shared>>
      tpu.wait_dma2 semaphore(%run_scoped3A : memref<!tpu.dma_semaphore, #tpu.memory_space<semaphore_mem>>) src(%arg4 : memref<128x128xf32, #tpu.memory_space<hbm>>) dst(%dma_wait3A_37 : memref<128x128xf32, #tpu.memory_space<vmem_shared>>)
      tpu.yield
    }) : () -> ()
    %mul3A_5 = arith.constant 640 : i32
    %mul3A_6 = arith.muli %arg1, %mul3A_5 : i32
    %add3A_7 = arith.constant 128 : i32
    %add3A_8 = arith.addi %mul3A_6, %add3A_7 : i32
    "tpu.region"() ({
      %run_scoped3A = tpu.sem_alloc : memref<!tpu.dma_semaphore, #tpu.memory_space<semaphore_mem>>
      %dma_start3A = arith.constant 0 : i32
      %dma_start3A_36 = tpu.memref_slice %arg8[%add3A_8, %dma_start3A] : memref<10240x128xf32, #tpu.memory_space<vmem_shared>> -> memref<128x128xf32, #tpu.memory_space<vmem_shared>>
      tpu.enqueue_dma source(%arg4 : memref<128x128xf32, #tpu.memory_space<hbm>>) target(%dma_start3A_36 : memref<128x128xf32, #tpu.memory_space<vmem_shared>>) target_semaphore(%run_scoped3A : memref<!tpu.dma_semaphore, #tpu.memory_space<semaphore_mem>>)
      %dma_wait3A = arith.constant 0 : i32
      %dma_wait3A_37 = tpu.memref_slice %arg8[%add3A_8, %dma_wait3A] : memref<10240x128xf32, #tpu.memory_space<vmem_shared>> -> memref<128x128xf32, #tpu.memory_space<vmem_shared>>
      tpu.wait_dma2 semaphore(%run_scoped3A : memref<!tpu.dma_semaphore, #tpu.memory_space<semaphore_mem>>) src(%arg4 : memref<128x128xf32, #tpu.memory_space<hbm>>) dst(%dma_wait3A_37 : memref<128x128xf32, #tpu.memory_space<vmem_shared>>)
      tpu.yield
    }) : () -> ()
    %mul3A_9 = arith.constant 640 : i32
    %mul3A_10 = arith.muli %arg1, %mul3A_9 : i32
    %add3A_11 = arith.constant 256 : i32
    %add3A_12 = arith.addi %mul3A_10, %add3A_11 : i32
    "tpu.region"() ({
      %run_scoped3A = tpu.sem_alloc : memref<!tpu.dma_semaphore, #tpu.memory_space<semaphore_mem>>
      %dma_start3A = arith.constant 0 : i32
      %dma_start3A_36 = tpu.memref_slice %arg8[%add3A_12, %dma_start3A] : memref<10240x128xf32, #tpu.memory_space<vmem_shared>> -> memref<128x128xf32, #tpu.memory_space<vmem_shared>>
      tpu.enqueue_dma source(%arg4 : memref<128x128xf32, #tpu.memory_space<hbm>>) target(%dma_start3A_36 : memref<128x128xf32, #tpu.memory_space<vmem_shared>>) target_semaphore(%run_scoped3A : memref<!tpu.dma_semaphore, #tpu.memory_space<semaphore_mem>>)
      %dma_wait3A = arith.constant 0 : i32
      %dma_wait3A_37 = tpu.memref_slice %arg8[%add3A_12, %dma_wait3A] : memref<10240x128xf32, #tpu.memory_space<vmem_shared>> -> memref<128x128xf32, #tpu.memory_space<vmem_shared>>
      tpu.wait_dma2 semaphore(%run_scoped3A : memref<!tpu.dma_semaphore, #tpu.memory_space<semaphore_mem>>) src(%arg4 : memref<128x128xf32, #tpu.memory_space<hbm>>) dst(%dma_wait3A_37 : memref<128x128xf32, #tpu.memory_space<vmem_shared>>)
      tpu.yield
    }) : () -> ()
    %mul3A_13 = arith.constant 640 : i32
    %mul3A_14 = arith.muli %arg1, %mul3A_13 : i32
    %add3A_15 = arith.constant 384 : i32
    %add3A_16 = arith.addi %mul3A_14, %add3A_15 : i32
    "tpu.region"() ({
      %run_scoped3A = tpu.sem_alloc : memref<!tpu.dma_semaphore, #tpu.memory_space<semaphore_mem>>
      %dma_start3A = arith.constant 0 : i32
      %dma_start3A_36 = tpu.memref_slice %arg8[%add3A_16, %dma_start3A] : memref<10240x128xf32, #tpu.memory_space<vmem_shared>> -> memref<128x128xf32, #tpu.memory_space<vmem_shared>>
      tpu.enqueue_dma source(%arg4 : memref<128x128xf32, #tpu.memory_space<hbm>>) target(%dma_start3A_36 : memref<128x128xf32, #tpu.memory_space<vmem_shared>>) target_semaphore(%run_scoped3A : memref<!tpu.dma_semaphore, #tpu.memory_space<semaphore_mem>>)
      %dma_wait3A = arith.constant 0 : i32
      %dma_wait3A_37 = tpu.memref_slice %arg8[%add3A_16, %dma_wait3A] : memref<10240x128xf32, #tpu.memory_space<vmem_shared>> -> memref<128x128xf32, #tpu.memory_space<vmem_shared>>
      tpu.wait_dma2 semaphore(%run_scoped3A : memref<!tpu.dma_semaphore, #tpu.memory_space<semaphore_mem>>) src(%arg4 : memref<128x128xf32, #tpu.memory_space<hbm>>) dst(%dma_wait3A_37 : memref<128x128xf32, #tpu.memory_space<vmem_shared>>)
      tpu.yield
    }) : () -> ()
    %mul3A_17 = arith.constant 640 : i32
    %mul3A_18 = arith.muli %arg1, %mul3A_17 : i32
    %add3A_19 = arith.constant 512 : i32
    %add3A_20 = arith.addi %mul3A_18, %add3A_19 : i32
    "tpu.region"() ({
      %run_scoped3A = tpu.sem_alloc : memref<!tpu.dma_semaphore, #tpu.memory_space<semaphore_mem>>
      %dma_start3A = arith.constant 0 : i32
      %dma_start3A_36 = tpu.memref_slice %arg8[%add3A_20, %dma_start3A] : memref<10240x128xf32, #tpu.memory_space<vmem_shared>> -> memref<128x128xf32, #tpu.memory_space<vmem_shared>>
      tpu.enqueue_dma source(%arg4 : memref<128x128xf32, #tpu.memory_space<hbm>>) target(%dma_start3A_36 : memref<128x128xf32, #tpu.memory_space<vmem_shared>>) target_semaphore(%run_scoped3A : memref<!tpu.dma_semaphore, #tpu.memory_space<semaphore_mem>>)
      %dma_wait3A = arith.constant 0 : i32
      %dma_wait3A_37 = tpu.memref_slice %arg8[%add3A_20, %dma_wait3A] : memref<10240x128xf32, #tpu.memory_space<vmem_shared>> -> memref<128x128xf32, #tpu.memory_space<vmem_shared>>
      tpu.wait_dma2 semaphore(%run_scoped3A : memref<!tpu.dma_semaphore, #tpu.memory_space<semaphore_mem>>) src(%arg4 : memref<128x128xf32, #tpu.memory_space<hbm>>) dst(%dma_wait3A_37 : memref<128x128xf32, #tpu.memory_space<vmem_shared>>)
      tpu.yield
    }) : () -> ()
    %barrier3A = arith.constant 0 : index
    tpu.barrier barrier_id(%barrier3A)
    %mul3A_21 = arith.constant 80 : i32
    %mul3A_22 = arith.muli %add3A, %mul3A_21 : i32
    "tpu.region"() ({
      %run_scoped3A = tpu.sem_alloc : memref<!tpu.dma_semaphore, #tpu.memory_space<semaphore_mem>>
      %dma_start3A = arith.constant 0 : i32
      %dma_start3A_36 = tpu.memref_slice %arg2[%mul3A_22, %dma_start3A] : memref<2560x128xi32, #tpu.memory_space<hbm>> -> memref<80x128xi32, #tpu.memory_space<hbm>>
      %dma_start3A_37 = arith.constant 0 : i32
      %dma_start3A_38 = tpu.memref_slice %arg2[%mul3A_22, %dma_start3A_37] : memref<2560x128xi32, #tpu.memory_space<hbm>> -> memref<80x128xi32, #tpu.memory_space<hbm>>
      tpu.enqueue_dma source(%dma_start3A_38 : memref<80x128xi32, #tpu.memory_space<hbm>>) target(%arg6 : memref<80x128xi32, #tpu.memory_space<vmem>>) target_semaphore(%run_scoped3A : memref<!tpu.dma_semaphore, #tpu.memory_space<semaphore_mem>>)
      %dma_wait3A = arith.constant 0 : i32
      %dma_wait3A_39 = tpu.memref_slice %arg2[%mul3A_22, %dma_wait3A] : memref<2560x128xi32, #tpu.memory_space<hbm>> -> memref<80x128xi32, #tpu.memory_space<hbm>>
      %dma_wait3A_40 = arith.constant 0 : i32
      %dma_wait3A_41 = tpu.memref_slice %arg2[%mul3A_22, %dma_wait3A_40] : memref<2560x128xi32, #tpu.memory_space<hbm>> -> memref<80x128xi32, #tpu.memory_space<hbm>>
      tpu.wait_dma2 semaphore(%run_scoped3A : memref<!tpu.dma_semaphore, #tpu.memory_space<semaphore_mem>>) src(%dma_wait3A_41 : memref<80x128xi32, #tpu.memory_space<hbm>>) dst(%arg6 : memref<80x128xi32, #tpu.memory_space<vmem>>)
      tpu.yield
    }) : () -> ()
    %scan3A = arith.constant 0 : i32
    %scan3A_23 = arith.constant 0 : i32
    %scan3A_24 = arith.constant 80 : i32
    %scan3A_25 = arith.addi %scan3A_23, %scan3A_24 : i32
    %scan3A_26 = arith.constant 1 : i32
    scf.for %scan3A_36 = %scan3A_23 to %scan3A_25 step %scan3A_26  : i32 {
      "tpu.region"() ({
        %run_scoped3A = tpu.sem_alloc : memref<!tpu.dma_semaphore, #tpu.memory_space<semaphore_mem>>
        %dma_start3A = arith.constant 0 : i32
        %dma_start3A_37 = tpu.memref_slice %arg6[%scan3A_36, %dma_start3A] : memref<80x128xi32, #tpu.memory_space<vmem>> -> memref<1x128xi32, #tpu.memory_space<vmem>>
        %dma_start3A_38 = tpu.memref_squeeze %dma_start3A_37 : memref<1x128xi32, #tpu.memory_space<vmem>> -> memref<128xi32, #tpu.memory_space<vmem>>
        %dma_start3A_39 = arith.constant 0 : i32
        %dma_start3A_40 = arith.constant 0 : i32
        %dma_start3A_41 = tpu.memref_slice %arg8[%dma_start3A_39, %dma_start3A_40] : memref<10240x128xf32, #tpu.memory_space<vmem_shared>> -> memref<10240x128xf32, #tpu.memory_space<vmem_shared>>
        tpu.enqueue_indirect_dma source(%arg7 : memref<128x128xf32, #tpu.memory_space<vmem>>) target(%dma_start3A_41 : memref<10240x128xf32, #tpu.memory_space<vmem_shared>>) offsets(%dma_start3A_38 : memref<128xi32, #tpu.memory_space<vmem>>) semaphore(%run_scoped3A : memref<!tpu.dma_semaphore, #tpu.memory_space<semaphore_mem>>) {add = true}
        %dma_wait3A = arith.constant 0 : i32
        %dma_wait3A_42 = tpu.memref_slice %arg6[%scan3A_36, %dma_wait3A] : memref<80x128xi32, #tpu.memory_space<vmem>> -> memref<1x128xi32, #tpu.memory_space<vmem>>
        %dma_wait3A_43 = tpu.memref_squeeze %dma_wait3A_42 : memref<1x128xi32, #tpu.memory_space<vmem>> -> memref<128xi32, #tpu.memory_space<vmem>>
        %dma_wait3A_44 = arith.constant 0 : i32
        %dma_wait3A_45 = arith.constant 0 : i32
        %dma_wait3A_46 = tpu.memref_slice %arg8[%dma_wait3A_44, %dma_wait3A_45] : memref<10240x128xf32, #tpu.memory_space<vmem_shared>> -> memref<10240x128xf32, #tpu.memory_space<vmem_shared>>
        tpu.wait_indirect_dma semaphore(%run_scoped3A : memref<!tpu.dma_semaphore, #tpu.memory_space<semaphore_mem>>) src(%arg7 : memref<128x128xf32, #tpu.memory_space<vmem>>) dst(%dma_wait3A_46 : memref<10240x128xf32, #tpu.memory_space<vmem_shared>>)
        tpu.yield
      }) : () -> ()
    }
    %scan3A_27 = arith.constant 80 : i32
    %barrier3A_28 = arith.constant 0 : index
    tpu.barrier barrier_id(%barrier3A_28)
    %mul3A_29 = arith.constant 640 : i32
    %mul3A_30 = arith.muli %arg1, %mul3A_29 : i32
    %mul3A_31 = arith.constant 10240 : i32
    %mul3A_32 = arith.muli %arg0, %mul3A_31 : i32
    %mul3A_33 = arith.constant 640 : i32
    %mul3A_34 = arith.muli %arg1, %mul3A_33 : i32
    %add3A_35 = arith.addi %mul3A_32, %mul3A_34 : i32
    "tpu.region"() ({
      %run_scoped3A = tpu.sem_alloc : memref<!tpu.dma_semaphore, #tpu.memory_space<semaphore_mem>>
      %dma_start3A = arith.constant 0 : i32
      %dma_start3A_36 = tpu.memref_slice %arg5[%add3A_35, %dma_start3A] : memref<20480x128xf32, #tpu.memory_space<hbm>> -> memref<640x128xf32, #tpu.memory_space<hbm>>
      %dma_start3A_37 = arith.constant 0 : i32
      %dma_start3A_38 = tpu.memref_slice %arg8[%mul3A_30, %dma_start3A_37] : memref<10240x128xf32, #tpu.memory_space<vmem_shared>> -> memref<640x128xf32, #tpu.memory_space<vmem_shared>>
      tpu.enqueue_dma source(%dma_start3A_38 : memref<640x128xf32, #tpu.memory_space<vmem_shared>>) target(%dma_start3A_36 : memref<640x128xf32, #tpu.memory_space<hbm>>) target_semaphore(%run_scoped3A : memref<!tpu.dma_semaphore, #tpu.memory_space<semaphore_mem>>)
      %dma_wait3A = arith.constant 0 : i32
      %dma_wait3A_39 = tpu.memref_slice %arg5[%add3A_35, %dma_wait3A] : memref<20480x128xf32, #tpu.memory_space<hbm>> -> memref<640x128xf32, #tpu.memory_space<hbm>>
      %dma_wait3A_40 = arith.constant 0 : i32
      %dma_wait3A_41 = tpu.memref_slice %arg8[%mul3A_30, %dma_wait3A_40] : memref<10240x128xf32, #tpu.memory_space<vmem_shared>> -> memref<640x128xf32, #tpu.memory_space<vmem_shared>>
      tpu.wait_dma2 semaphore(%run_scoped3A : memref<!tpu.dma_semaphore, #tpu.memory_space<semaphore_mem>>) src(%dma_wait3A_41 : memref<640x128xf32, #tpu.memory_space<vmem_shared>>) dst(%dma_wait3A_39 : memref<640x128xf32, #tpu.memory_space<hbm>>)
      tpu.yield
    }) : () -> ()
    return
  }
}

#map = affine_map<(d0, d1) -> (0, 0)>
module attributes {stable_mosaic.version = 14 : i64} {
  func.func @prop_sc(%arg0: i32, %arg1: i32, %arg2: memref<2560x128xi32, #tpu.memory_space<hbm>>, %arg3: memref<2560x128xi32, #tpu.memory_space<hbm>>, %arg4: memref<10000x128xf32, #tpu.memory_space<hbm>>, %arg5: memref<128x128xf32, #tpu.memory_space<hbm>>, %arg6: memref<20480x128xf32, #tpu.memory_space<hbm>>, %arg7: memref<40x128xi32, #tpu.memory_space<vmem>>, %arg8: memref<40x128xi32, #tpu.memory_space<vmem>>, %arg9: memref<128x128xf32, #tpu.memory_space<vmem>>, %arg10: memref<128x128xf32, #tpu.memory_space<vmem>>, %arg11: memref<10240x128xf32, #tpu.memory_space<vmem_shared>>, %arg12: memref<!tpu.dma_semaphore, #tpu.memory_space<semaphore_mem>>, %arg13: memref<!tpu.dma_semaphore, #tpu.memory_space<semaphore_mem>>) attributes {dimension_semantics = [#tpu.dimension_semantics<core_parallel>, #tpu.dimension_semantics<subcore_parallel>], iteration_bounds = array<i64: 2, 16>, scalar_prefetch = 0 : i64, scratch_operands = 7 : i64, tpu.core_type = #tpu.core_type<sc_vector_subcore>, window_params = [{transform_indices = #map}, {transform_indices = #map}, {transform_indices = #map}, {transform_indices = #map}, {transform_indices = #map}]} {
    %mul3A = arith.constant 16 : i32
    %mul3A_0 = arith.muli %arg0, %mul3A : i32
    %add3A = arith.addi %mul3A_0, %arg1 : i32
    %mul3A_1 = arith.constant 640 : i32
    %mul3A_2 = arith.muli %arg1, %mul3A_1 : i32
    %add3A_3 = arith.constant 0 : i32
    %add3A_4 = arith.addi %mul3A_2, %add3A_3 : i32
    "tpu.region"() ({
      %run_scoped3A = tpu.sem_alloc : memref<!tpu.dma_semaphore, #tpu.memory_space<semaphore_mem>>
      %dma_start3A_69 = arith.constant 0 : i32
      %dma_start3A_70 = tpu.memref_slice %arg11[%add3A_4, %dma_start3A_69] : memref<10240x128xf32, #tpu.memory_space<vmem_shared>> -> memref<128x128xf32, #tpu.memory_space<vmem_shared>>
      tpu.enqueue_dma source(%arg5 : memref<128x128xf32, #tpu.memory_space<hbm>>) target(%dma_start3A_70 : memref<128x128xf32, #tpu.memory_space<vmem_shared>>) target_semaphore(%run_scoped3A : memref<!tpu.dma_semaphore, #tpu.memory_space<semaphore_mem>>)
      %dma_wait3A = arith.constant 0 : i32
      %dma_wait3A_71 = tpu.memref_slice %arg11[%add3A_4, %dma_wait3A] : memref<10240x128xf32, #tpu.memory_space<vmem_shared>> -> memref<128x128xf32, #tpu.memory_space<vmem_shared>>
      tpu.wait_dma2 semaphore(%run_scoped3A : memref<!tpu.dma_semaphore, #tpu.memory_space<semaphore_mem>>) src(%arg5 : memref<128x128xf32, #tpu.memory_space<hbm>>) dst(%dma_wait3A_71 : memref<128x128xf32, #tpu.memory_space<vmem_shared>>)
      tpu.yield
    }) : () -> ()
    %mul3A_5 = arith.constant 640 : i32
    %mul3A_6 = arith.muli %arg1, %mul3A_5 : i32
    %add3A_7 = arith.constant 128 : i32
    %add3A_8 = arith.addi %mul3A_6, %add3A_7 : i32
    "tpu.region"() ({
      %run_scoped3A = tpu.sem_alloc : memref<!tpu.dma_semaphore, #tpu.memory_space<semaphore_mem>>
      %dma_start3A_69 = arith.constant 0 : i32
      %dma_start3A_70 = tpu.memref_slice %arg11[%add3A_8, %dma_start3A_69] : memref<10240x128xf32, #tpu.memory_space<vmem_shared>> -> memref<128x128xf32, #tpu.memory_space<vmem_shared>>
      tpu.enqueue_dma source(%arg5 : memref<128x128xf32, #tpu.memory_space<hbm>>) target(%dma_start3A_70 : memref<128x128xf32, #tpu.memory_space<vmem_shared>>) target_semaphore(%run_scoped3A : memref<!tpu.dma_semaphore, #tpu.memory_space<semaphore_mem>>)
      %dma_wait3A = arith.constant 0 : i32
      %dma_wait3A_71 = tpu.memref_slice %arg11[%add3A_8, %dma_wait3A] : memref<10240x128xf32, #tpu.memory_space<vmem_shared>> -> memref<128x128xf32, #tpu.memory_space<vmem_shared>>
      tpu.wait_dma2 semaphore(%run_scoped3A : memref<!tpu.dma_semaphore, #tpu.memory_space<semaphore_mem>>) src(%arg5 : memref<128x128xf32, #tpu.memory_space<hbm>>) dst(%dma_wait3A_71 : memref<128x128xf32, #tpu.memory_space<vmem_shared>>)
      tpu.yield
    }) : () -> ()
    %mul3A_9 = arith.constant 640 : i32
    %mul3A_10 = arith.muli %arg1, %mul3A_9 : i32
    %add3A_11 = arith.constant 256 : i32
    %add3A_12 = arith.addi %mul3A_10, %add3A_11 : i32
    "tpu.region"() ({
      %run_scoped3A = tpu.sem_alloc : memref<!tpu.dma_semaphore, #tpu.memory_space<semaphore_mem>>
      %dma_start3A_69 = arith.constant 0 : i32
      %dma_start3A_70 = tpu.memref_slice %arg11[%add3A_12, %dma_start3A_69] : memref<10240x128xf32, #tpu.memory_space<vmem_shared>> -> memref<128x128xf32, #tpu.memory_space<vmem_shared>>
      tpu.enqueue_dma source(%arg5 : memref<128x128xf32, #tpu.memory_space<hbm>>) target(%dma_start3A_70 : memref<128x128xf32, #tpu.memory_space<vmem_shared>>) target_semaphore(%run_scoped3A : memref<!tpu.dma_semaphore, #tpu.memory_space<semaphore_mem>>)
      %dma_wait3A = arith.constant 0 : i32
      %dma_wait3A_71 = tpu.memref_slice %arg11[%add3A_12, %dma_wait3A] : memref<10240x128xf32, #tpu.memory_space<vmem_shared>> -> memref<128x128xf32, #tpu.memory_space<vmem_shared>>
      tpu.wait_dma2 semaphore(%run_scoped3A : memref<!tpu.dma_semaphore, #tpu.memory_space<semaphore_mem>>) src(%arg5 : memref<128x128xf32, #tpu.memory_space<hbm>>) dst(%dma_wait3A_71 : memref<128x128xf32, #tpu.memory_space<vmem_shared>>)
      tpu.yield
    }) : () -> ()
    %mul3A_13 = arith.constant 640 : i32
    %mul3A_14 = arith.muli %arg1, %mul3A_13 : i32
    %add3A_15 = arith.constant 384 : i32
    %add3A_16 = arith.addi %mul3A_14, %add3A_15 : i32
    "tpu.region"() ({
      %run_scoped3A = tpu.sem_alloc : memref<!tpu.dma_semaphore, #tpu.memory_space<semaphore_mem>>
      %dma_start3A_69 = arith.constant 0 : i32
      %dma_start3A_70 = tpu.memref_slice %arg11[%add3A_16, %dma_start3A_69] : memref<10240x128xf32, #tpu.memory_space<vmem_shared>> -> memref<128x128xf32, #tpu.memory_space<vmem_shared>>
      tpu.enqueue_dma source(%arg5 : memref<128x128xf32, #tpu.memory_space<hbm>>) target(%dma_start3A_70 : memref<128x128xf32, #tpu.memory_space<vmem_shared>>) target_semaphore(%run_scoped3A : memref<!tpu.dma_semaphore, #tpu.memory_space<semaphore_mem>>)
      %dma_wait3A = arith.constant 0 : i32
      %dma_wait3A_71 = tpu.memref_slice %arg11[%add3A_16, %dma_wait3A] : memref<10240x128xf32, #tpu.memory_space<vmem_shared>> -> memref<128x128xf32, #tpu.memory_space<vmem_shared>>
      tpu.wait_dma2 semaphore(%run_scoped3A : memref<!tpu.dma_semaphore, #tpu.memory_space<semaphore_mem>>) src(%arg5 : memref<128x128xf32, #tpu.memory_space<hbm>>) dst(%dma_wait3A_71 : memref<128x128xf32, #tpu.memory_space<vmem_shared>>)
      tpu.yield
    }) : () -> ()
    %mul3A_17 = arith.constant 640 : i32
    %mul3A_18 = arith.muli %arg1, %mul3A_17 : i32
    %add3A_19 = arith.constant 512 : i32
    %add3A_20 = arith.addi %mul3A_18, %add3A_19 : i32
    "tpu.region"() ({
      %run_scoped3A = tpu.sem_alloc : memref<!tpu.dma_semaphore, #tpu.memory_space<semaphore_mem>>
      %dma_start3A_69 = arith.constant 0 : i32
      %dma_start3A_70 = tpu.memref_slice %arg11[%add3A_20, %dma_start3A_69] : memref<10240x128xf32, #tpu.memory_space<vmem_shared>> -> memref<128x128xf32, #tpu.memory_space<vmem_shared>>
      tpu.enqueue_dma source(%arg5 : memref<128x128xf32, #tpu.memory_space<hbm>>) target(%dma_start3A_70 : memref<128x128xf32, #tpu.memory_space<vmem_shared>>) target_semaphore(%run_scoped3A : memref<!tpu.dma_semaphore, #tpu.memory_space<semaphore_mem>>)
      %dma_wait3A = arith.constant 0 : i32
      %dma_wait3A_71 = tpu.memref_slice %arg11[%add3A_20, %dma_wait3A] : memref<10240x128xf32, #tpu.memory_space<vmem_shared>> -> memref<128x128xf32, #tpu.memory_space<vmem_shared>>
      tpu.wait_dma2 semaphore(%run_scoped3A : memref<!tpu.dma_semaphore, #tpu.memory_space<semaphore_mem>>) src(%arg5 : memref<128x128xf32, #tpu.memory_space<hbm>>) dst(%dma_wait3A_71 : memref<128x128xf32, #tpu.memory_space<vmem_shared>>)
      tpu.yield
    }) : () -> ()
    %barrier3A = arith.constant 0 : index
    tpu.barrier barrier_id(%barrier3A)
    %mul3A_21 = arith.constant 80 : i32
    %mul3A_22 = arith.muli %add3A, %mul3A_21 : i32
    %add3A_23 = arith.constant 0 : i32
    %add3A_24 = arith.addi %mul3A_22, %add3A_23 : i32
    "tpu.region"() ({
      %run_scoped3A = tpu.sem_alloc : memref<!tpu.dma_semaphore, #tpu.memory_space<semaphore_mem>>
      %dma_start3A_69 = arith.constant 0 : i32
      %dma_start3A_70 = tpu.memref_slice %arg2[%add3A_24, %dma_start3A_69] : memref<2560x128xi32, #tpu.memory_space<hbm>> -> memref<40x128xi32, #tpu.memory_space<hbm>>
      %dma_start3A_71 = arith.constant 0 : i32
      %dma_start3A_72 = tpu.memref_slice %arg2[%add3A_24, %dma_start3A_71] : memref<2560x128xi32, #tpu.memory_space<hbm>> -> memref<40x128xi32, #tpu.memory_space<hbm>>
      tpu.enqueue_dma source(%dma_start3A_72 : memref<40x128xi32, #tpu.memory_space<hbm>>) target(%arg7 : memref<40x128xi32, #tpu.memory_space<vmem>>) target_semaphore(%run_scoped3A : memref<!tpu.dma_semaphore, #tpu.memory_space<semaphore_mem>>)
      %dma_wait3A = arith.constant 0 : i32
      %dma_wait3A_73 = tpu.memref_slice %arg2[%add3A_24, %dma_wait3A] : memref<2560x128xi32, #tpu.memory_space<hbm>> -> memref<40x128xi32, #tpu.memory_space<hbm>>
      %dma_wait3A_74 = arith.constant 0 : i32
      %dma_wait3A_75 = tpu.memref_slice %arg2[%add3A_24, %dma_wait3A_74] : memref<2560x128xi32, #tpu.memory_space<hbm>> -> memref<40x128xi32, #tpu.memory_space<hbm>>
      tpu.wait_dma2 semaphore(%run_scoped3A : memref<!tpu.dma_semaphore, #tpu.memory_space<semaphore_mem>>) src(%dma_wait3A_75 : memref<40x128xi32, #tpu.memory_space<hbm>>) dst(%arg7 : memref<40x128xi32, #tpu.memory_space<vmem>>)
      tpu.yield
    }) : () -> ()
    %mul3A_25 = arith.constant 80 : i32
    %mul3A_26 = arith.muli %add3A, %mul3A_25 : i32
    %add3A_27 = arith.constant 0 : i32
    %add3A_28 = arith.addi %mul3A_26, %add3A_27 : i32
    "tpu.region"() ({
      %run_scoped3A = tpu.sem_alloc : memref<!tpu.dma_semaphore, #tpu.memory_space<semaphore_mem>>
      %dma_start3A_69 = arith.constant 0 : i32
      %dma_start3A_70 = tpu.memref_slice %arg3[%add3A_28, %dma_start3A_69] : memref<2560x128xi32, #tpu.memory_space<hbm>> -> memref<40x128xi32, #tpu.memory_space<hbm>>
      %dma_start3A_71 = arith.constant 0 : i32
      %dma_start3A_72 = tpu.memref_slice %arg3[%add3A_28, %dma_start3A_71] : memref<2560x128xi32, #tpu.memory_space<hbm>> -> memref<40x128xi32, #tpu.memory_space<hbm>>
      tpu.enqueue_dma source(%dma_start3A_72 : memref<40x128xi32, #tpu.memory_space<hbm>>) target(%arg8 : memref<40x128xi32, #tpu.memory_space<vmem>>) target_semaphore(%run_scoped3A : memref<!tpu.dma_semaphore, #tpu.memory_space<semaphore_mem>>)
      %dma_wait3A = arith.constant 0 : i32
      %dma_wait3A_73 = tpu.memref_slice %arg3[%add3A_28, %dma_wait3A] : memref<2560x128xi32, #tpu.memory_space<hbm>> -> memref<40x128xi32, #tpu.memory_space<hbm>>
      %dma_wait3A_74 = arith.constant 0 : i32
      %dma_wait3A_75 = tpu.memref_slice %arg3[%add3A_28, %dma_wait3A_74] : memref<2560x128xi32, #tpu.memory_space<hbm>> -> memref<40x128xi32, #tpu.memory_space<hbm>>
      tpu.wait_dma2 semaphore(%run_scoped3A : memref<!tpu.dma_semaphore, #tpu.memory_space<semaphore_mem>>) src(%dma_wait3A_75 : memref<40x128xi32, #tpu.memory_space<hbm>>) dst(%arg8 : memref<40x128xi32, #tpu.memory_space<vmem>>)
      tpu.yield
    }) : () -> ()
    %dma_start3A = arith.constant 0 : i32
    %dma_start3A_29 = arith.constant 0 : i32
    %dma_start3A_30 = tpu.memref_slice %arg7[%dma_start3A, %dma_start3A_29] : memref<40x128xi32, #tpu.memory_space<vmem>> -> memref<1x128xi32, #tpu.memory_space<vmem>>
    %dma_start3A_31 = tpu.memref_squeeze %dma_start3A_30 : memref<1x128xi32, #tpu.memory_space<vmem>> -> memref<128xi32, #tpu.memory_space<vmem>>
    %dma_start3A_32 = arith.constant 0 : i32
    %dma_start3A_33 = arith.constant 0 : i32
    %dma_start3A_34 = tpu.memref_slice %arg4[%dma_start3A_32, %dma_start3A_33] : memref<10000x128xf32, #tpu.memory_space<hbm>> -> memref<10000x128xf32, #tpu.memory_space<hbm>>
    tpu.enqueue_indirect_dma source(%dma_start3A_34 : memref<10000x128xf32, #tpu.memory_space<hbm>>) target(%arg9 : memref<128x128xf32, #tpu.memory_space<vmem>>) offsets(%dma_start3A_31 : memref<128xi32, #tpu.memory_space<vmem>>) semaphore(%arg12 : memref<!tpu.dma_semaphore, #tpu.memory_space<semaphore_mem>>)
    %scan3A = arith.constant 0 : i32
    %scan3A_35 = arith.constant 0 : i32
    %scan3A_36 = arith.constant 20 : i32
    %scan3A_37 = arith.addi %scan3A_35, %scan3A_36 : i32
    %scan3A_38 = arith.constant 1 : i32
    scf.for %scan3A_69 = %scan3A_35 to %scan3A_37 step %scan3A_38  : i32 {
      %mul3A_70 = arith.constant 2 : i32
      %mul3A_71 = arith.muli %mul3A_70, %scan3A_69 : i32
      %add3A_72 = arith.constant 1 : i32
      %add3A_73 = arith.addi %mul3A_71, %add3A_72 : i32
      %dma_start3A_74 = arith.constant 0 : i32
      %dma_start3A_75 = tpu.memref_slice %arg7[%add3A_73, %dma_start3A_74] : memref<40x128xi32, #tpu.memory_space<vmem>> -> memref<1x128xi32, #tpu.memory_space<vmem>>
      %dma_start3A_76 = tpu.memref_squeeze %dma_start3A_75 : memref<1x128xi32, #tpu.memory_space<vmem>> -> memref<128xi32, #tpu.memory_space<vmem>>
      %dma_start3A_77 = arith.constant 0 : i32
      %dma_start3A_78 = arith.constant 0 : i32
      %dma_start3A_79 = tpu.memref_slice %arg4[%dma_start3A_77, %dma_start3A_78] : memref<10000x128xf32, #tpu.memory_space<hbm>> -> memref<10000x128xf32, #tpu.memory_space<hbm>>
      tpu.enqueue_indirect_dma source(%dma_start3A_79 : memref<10000x128xf32, #tpu.memory_space<hbm>>) target(%arg10 : memref<128x128xf32, #tpu.memory_space<vmem>>) offsets(%dma_start3A_76 : memref<128xi32, #tpu.memory_space<vmem>>) semaphore(%arg13 : memref<!tpu.dma_semaphore, #tpu.memory_space<semaphore_mem>>)
      %mul3A_80 = arith.constant 2 : i32
      %mul3A_81 = arith.muli %mul3A_80, %scan3A_69 : i32
      %dma_wait3A = arith.constant 0 : i32
      %dma_wait3A_82 = tpu.memref_slice %arg7[%mul3A_81, %dma_wait3A] : memref<40x128xi32, #tpu.memory_space<vmem>> -> memref<1x128xi32, #tpu.memory_space<vmem>>
      %dma_wait3A_83 = tpu.memref_squeeze %dma_wait3A_82 : memref<1x128xi32, #tpu.memory_space<vmem>> -> memref<128xi32, #tpu.memory_space<vmem>>
      %dma_wait3A_84 = arith.constant 0 : i32
      %dma_wait3A_85 = arith.constant 0 : i32
      %dma_wait3A_86 = tpu.memref_slice %arg4[%dma_wait3A_84, %dma_wait3A_85] : memref<10000x128xf32, #tpu.memory_space<hbm>> -> memref<10000x128xf32, #tpu.memory_space<hbm>>
      tpu.wait_indirect_dma semaphore(%arg12 : memref<!tpu.dma_semaphore, #tpu.memory_space<semaphore_mem>>) src(%dma_wait3A_86 : memref<10000x128xf32, #tpu.memory_space<hbm>>) dst(%arg9 : memref<128x128xf32, #tpu.memory_space<vmem>>)
      %mul3A_87 = arith.constant 2 : i32
      %mul3A_88 = arith.muli %mul3A_87, %scan3A_69 : i32
      "tpu.region"() ({
        %run_scoped3A = tpu.sem_alloc : memref<!tpu.dma_semaphore, #tpu.memory_space<semaphore_mem>>
        %dma_start3A_105 = arith.constant 0 : i32
        %dma_start3A_106 = tpu.memref_slice %arg8[%mul3A_88, %dma_start3A_105] : memref<40x128xi32, #tpu.memory_space<vmem>> -> memref<1x128xi32, #tpu.memory_space<vmem>>
        %dma_start3A_107 = tpu.memref_squeeze %dma_start3A_106 : memref<1x128xi32, #tpu.memory_space<vmem>> -> memref<128xi32, #tpu.memory_space<vmem>>
        %dma_start3A_108 = arith.constant 0 : i32
        %dma_start3A_109 = arith.constant 0 : i32
        %dma_start3A_110 = tpu.memref_slice %arg11[%dma_start3A_108, %dma_start3A_109] : memref<10240x128xf32, #tpu.memory_space<vmem_shared>> -> memref<10240x128xf32, #tpu.memory_space<vmem_shared>>
        tpu.enqueue_indirect_dma source(%arg9 : memref<128x128xf32, #tpu.memory_space<vmem>>) target(%dma_start3A_110 : memref<10240x128xf32, #tpu.memory_space<vmem_shared>>) offsets(%dma_start3A_107 : memref<128xi32, #tpu.memory_space<vmem>>) semaphore(%run_scoped3A : memref<!tpu.dma_semaphore, #tpu.memory_space<semaphore_mem>>) {add = true}
        %dma_wait3A_111 = arith.constant 0 : i32
        %dma_wait3A_112 = tpu.memref_slice %arg8[%mul3A_88, %dma_wait3A_111] : memref<40x128xi32, #tpu.memory_space<vmem>> -> memref<1x128xi32, #tpu.memory_space<vmem>>
        %dma_wait3A_113 = tpu.memref_squeeze %dma_wait3A_112 : memref<1x128xi32, #tpu.memory_space<vmem>> -> memref<128xi32, #tpu.memory_space<vmem>>
        %dma_wait3A_114 = arith.constant 0 : i32
        %dma_wait3A_115 = arith.constant 0 : i32
        %dma_wait3A_116 = tpu.memref_slice %arg11[%dma_wait3A_114, %dma_wait3A_115] : memref<10240x128xf32, #tpu.memory_space<vmem_shared>> -> memref<10240x128xf32, #tpu.memory_space<vmem_shared>>
        tpu.wait_indirect_dma semaphore(%run_scoped3A : memref<!tpu.dma_semaphore, #tpu.memory_space<semaphore_mem>>) src(%arg9 : memref<128x128xf32, #tpu.memory_space<vmem>>) dst(%dma_wait3A_116 : memref<10240x128xf32, #tpu.memory_space<vmem_shared>>)
        tpu.yield
      }) : () -> ()
      %lt3A = arith.constant 19 : i32
      %lt3A_89 = arith.cmpi slt, %scan3A_69, %lt3A : i32
      %convert_element_type3A = arith.extui %lt3A_89 : i1 to i32
      %cond3A = arith.constant 0 : i32
      %cond3A_90 = arith.cmpi ne, %convert_element_type3A, %cond3A : i32
      scf.if %cond3A_90 {
        %mul3A_105 = arith.constant 2 : i32
        %mul3A_106 = arith.muli %mul3A_105, %scan3A_69 : i32
        %add3A_107 = arith.constant 2 : i32
        %add3A_108 = arith.addi %mul3A_106, %add3A_107 : i32
        %dma_start3A_109 = arith.constant 0 : i32
        %dma_start3A_110 = tpu.memref_slice %arg7[%add3A_108, %dma_start3A_109] : memref<40x128xi32, #tpu.memory_space<vmem>> -> memref<1x128xi32, #tpu.memory_space<vmem>>
        %dma_start3A_111 = tpu.memref_squeeze %dma_start3A_110 : memref<1x128xi32, #tpu.memory_space<vmem>> -> memref<128xi32, #tpu.memory_space<vmem>>
        %dma_start3A_112 = arith.constant 0 : i32
        %dma_start3A_113 = arith.constant 0 : i32
        %dma_start3A_114 = tpu.memref_slice %arg4[%dma_start3A_112, %dma_start3A_113] : memref<10000x128xf32, #tpu.memory_space<hbm>> -> memref<10000x128xf32, #tpu.memory_space<hbm>>
        tpu.enqueue_indirect_dma source(%dma_start3A_114 : memref<10000x128xf32, #tpu.memory_space<hbm>>) target(%arg9 : memref<128x128xf32, #tpu.memory_space<vmem>>) offsets(%dma_start3A_111 : memref<128xi32, #tpu.memory_space<vmem>>) semaphore(%arg12 : memref<!tpu.dma_semaphore, #tpu.memory_space<semaphore_mem>>)
      } else {
      }
      %mul3A_91 = arith.constant 2 : i32
      %mul3A_92 = arith.muli %mul3A_91, %scan3A_69 : i32
      %add3A_93 = arith.constant 1 : i32
      %add3A_94 = arith.addi %mul3A_92, %add3A_93 : i32
      %dma_wait3A_95 = arith.constant 0 : i32
      %dma_wait3A_96 = tpu.memref_slice %arg7[%add3A_94, %dma_wait3A_95] : memref<40x128xi32, #tpu.memory_space<vmem>> -> memref<1x128xi32, #tpu.memory_space<vmem>>
      %dma_wait3A_97 = tpu.memref_squeeze %dma_wait3A_96 : memref<1x128xi32, #tpu.memory_space<vmem>> -> memref<128xi32, #tpu.memory_space<vmem>>
      %dma_wait3A_98 = arith.constant 0 : i32
      %dma_wait3A_99 = arith.constant 0 : i32
      %dma_wait3A_100 = tpu.memref_slice %arg4[%dma_wait3A_98, %dma_wait3A_99] : memref<10000x128xf32, #tpu.memory_space<hbm>> -> memref<10000x128xf32, #tpu.memory_space<hbm>>
      tpu.wait_indirect_dma semaphore(%arg13 : memref<!tpu.dma_semaphore, #tpu.memory_space<semaphore_mem>>) src(%dma_wait3A_100 : memref<10000x128xf32, #tpu.memory_space<hbm>>) dst(%arg10 : memref<128x128xf32, #tpu.memory_space<vmem>>)
      %mul3A_101 = arith.constant 2 : i32
      %mul3A_102 = arith.muli %mul3A_101, %scan3A_69 : i32
      %add3A_103 = arith.constant 1 : i32
      %add3A_104 = arith.addi %mul3A_102, %add3A_103 : i32
      "tpu.region"() ({
        %run_scoped3A = tpu.sem_alloc : memref<!tpu.dma_semaphore, #tpu.memory_space<semaphore_mem>>
        %dma_start3A_105 = arith.constant 0 : i32
        %dma_start3A_106 = tpu.memref_slice %arg8[%add3A_104, %dma_start3A_105] : memref<40x128xi32, #tpu.memory_space<vmem>> -> memref<1x128xi32, #tpu.memory_space<vmem>>
        %dma_start3A_107 = tpu.memref_squeeze %dma_start3A_106 : memref<1x128xi32, #tpu.memory_space<vmem>> -> memref<128xi32, #tpu.memory_space<vmem>>
        %dma_start3A_108 = arith.constant 0 : i32
        %dma_start3A_109 = arith.constant 0 : i32
        %dma_start3A_110 = tpu.memref_slice %arg11[%dma_start3A_108, %dma_start3A_109] : memref<10240x128xf32, #tpu.memory_space<vmem_shared>> -> memref<10240x128xf32, #tpu.memory_space<vmem_shared>>
        tpu.enqueue_indirect_dma source(%arg10 : memref<128x128xf32, #tpu.memory_space<vmem>>) target(%dma_start3A_110 : memref<10240x128xf32, #tpu.memory_space<vmem_shared>>) offsets(%dma_start3A_107 : memref<128xi32, #tpu.memory_space<vmem>>) semaphore(%run_scoped3A : memref<!tpu.dma_semaphore, #tpu.memory_space<semaphore_mem>>) {add = true}
        %dma_wait3A_111 = arith.constant 0 : i32
        %dma_wait3A_112 = tpu.memref_slice %arg8[%add3A_104, %dma_wait3A_111] : memref<40x128xi32, #tpu.memory_space<vmem>> -> memref<1x128xi32, #tpu.memory_space<vmem>>
        %dma_wait3A_113 = tpu.memref_squeeze %dma_wait3A_112 : memref<1x128xi32, #tpu.memory_space<vmem>> -> memref<128xi32, #tpu.memory_space<vmem>>
        %dma_wait3A_114 = arith.constant 0 : i32
        %dma_wait3A_115 = arith.constant 0 : i32
        %dma_wait3A_116 = tpu.memref_slice %arg11[%dma_wait3A_114, %dma_wait3A_115] : memref<10240x128xf32, #tpu.memory_space<vmem_shared>> -> memref<10240x128xf32, #tpu.memory_space<vmem_shared>>
        tpu.wait_indirect_dma semaphore(%run_scoped3A : memref<!tpu.dma_semaphore, #tpu.memory_space<semaphore_mem>>) src(%arg10 : memref<128x128xf32, #tpu.memory_space<vmem>>) dst(%dma_wait3A_116 : memref<10240x128xf32, #tpu.memory_space<vmem_shared>>)
        tpu.yield
      }) : () -> ()
    }
    %scan3A_39 = arith.constant 20 : i32
    %mul3A_40 = arith.constant 80 : i32
    %mul3A_41 = arith.muli %add3A, %mul3A_40 : i32
    %add3A_42 = arith.constant 40 : i32
    %add3A_43 = arith.addi %mul3A_41, %add3A_42 : i32
    "tpu.region"() ({
      %run_scoped3A = tpu.sem_alloc : memref<!tpu.dma_semaphore, #tpu.memory_space<semaphore_mem>>
      %dma_start3A_69 = arith.constant 0 : i32
      %dma_start3A_70 = tpu.memref_slice %arg2[%add3A_43, %dma_start3A_69] : memref<2560x128xi32, #tpu.memory_space<hbm>> -> memref<40x128xi32, #tpu.memory_space<hbm>>
      %dma_start3A_71 = arith.constant 0 : i32
      %dma_start3A_72 = tpu.memref_slice %arg2[%add3A_43, %dma_start3A_71] : memref<2560x128xi32, #tpu.memory_space<hbm>> -> memref<40x128xi32, #tpu.memory_space<hbm>>
      tpu.enqueue_dma source(%dma_start3A_72 : memref<40x128xi32, #tpu.memory_space<hbm>>) target(%arg7 : memref<40x128xi32, #tpu.memory_space<vmem>>) target_semaphore(%run_scoped3A : memref<!tpu.dma_semaphore, #tpu.memory_space<semaphore_mem>>)
      %dma_wait3A = arith.constant 0 : i32
      %dma_wait3A_73 = tpu.memref_slice %arg2[%add3A_43, %dma_wait3A] : memref<2560x128xi32, #tpu.memory_space<hbm>> -> memref<40x128xi32, #tpu.memory_space<hbm>>
      %dma_wait3A_74 = arith.constant 0 : i32
      %dma_wait3A_75 = tpu.memref_slice %arg2[%add3A_43, %dma_wait3A_74] : memref<2560x128xi32, #tpu.memory_space<hbm>> -> memref<40x128xi32, #tpu.memory_space<hbm>>
      tpu.wait_dma2 semaphore(%run_scoped3A : memref<!tpu.dma_semaphore, #tpu.memory_space<semaphore_mem>>) src(%dma_wait3A_75 : memref<40x128xi32, #tpu.memory_space<hbm>>) dst(%arg7 : memref<40x128xi32, #tpu.memory_space<vmem>>)
      tpu.yield
    }) : () -> ()
    %mul3A_44 = arith.constant 80 : i32
    %mul3A_45 = arith.muli %add3A, %mul3A_44 : i32
    %add3A_46 = arith.constant 40 : i32
    %add3A_47 = arith.addi %mul3A_45, %add3A_46 : i32
    "tpu.region"() ({
      %run_scoped3A = tpu.sem_alloc : memref<!tpu.dma_semaphore, #tpu.memory_space<semaphore_mem>>
      %dma_start3A_69 = arith.constant 0 : i32
      %dma_start3A_70 = tpu.memref_slice %arg3[%add3A_47, %dma_start3A_69] : memref<2560x128xi32, #tpu.memory_space<hbm>> -> memref<40x128xi32, #tpu.memory_space<hbm>>
      %dma_start3A_71 = arith.constant 0 : i32
      %dma_start3A_72 = tpu.memref_slice %arg3[%add3A_47, %dma_start3A_71] : memref<2560x128xi32, #tpu.memory_space<hbm>> -> memref<40x128xi32, #tpu.memory_space<hbm>>
      tpu.enqueue_dma source(%dma_start3A_72 : memref<40x128xi32, #tpu.memory_space<hbm>>) target(%arg8 : memref<40x128xi32, #tpu.memory_space<vmem>>) target_semaphore(%run_scoped3A : memref<!tpu.dma_semaphore, #tpu.memory_space<semaphore_mem>>)
      %dma_wait3A = arith.constant 0 : i32
      %dma_wait3A_73 = tpu.memref_slice %arg3[%add3A_47, %dma_wait3A] : memref<2560x128xi32, #tpu.memory_space<hbm>> -> memref<40x128xi32, #tpu.memory_space<hbm>>
      %dma_wait3A_74 = arith.constant 0 : i32
      %dma_wait3A_75 = tpu.memref_slice %arg3[%add3A_47, %dma_wait3A_74] : memref<2560x128xi32, #tpu.memory_space<hbm>> -> memref<40x128xi32, #tpu.memory_space<hbm>>
      tpu.wait_dma2 semaphore(%run_scoped3A : memref<!tpu.dma_semaphore, #tpu.memory_space<semaphore_mem>>) src(%dma_wait3A_75 : memref<40x128xi32, #tpu.memory_space<hbm>>) dst(%arg8 : memref<40x128xi32, #tpu.memory_space<vmem>>)
      tpu.yield
    }) : () -> ()
    %dma_start3A_48 = arith.constant 0 : i32
    %dma_start3A_49 = arith.constant 0 : i32
    %dma_start3A_50 = tpu.memref_slice %arg7[%dma_start3A_48, %dma_start3A_49] : memref<40x128xi32, #tpu.memory_space<vmem>> -> memref<1x128xi32, #tpu.memory_space<vmem>>
    %dma_start3A_51 = tpu.memref_squeeze %dma_start3A_50 : memref<1x128xi32, #tpu.memory_space<vmem>> -> memref<128xi32, #tpu.memory_space<vmem>>
    %dma_start3A_52 = arith.constant 0 : i32
    %dma_start3A_53 = arith.constant 0 : i32
    %dma_start3A_54 = tpu.memref_slice %arg4[%dma_start3A_52, %dma_start3A_53] : memref<10000x128xf32, #tpu.memory_space<hbm>> -> memref<10000x128xf32, #tpu.memory_space<hbm>>
    tpu.enqueue_indirect_dma source(%dma_start3A_54 : memref<10000x128xf32, #tpu.memory_space<hbm>>) target(%arg9 : memref<128x128xf32, #tpu.memory_space<vmem>>) offsets(%dma_start3A_51 : memref<128xi32, #tpu.memory_space<vmem>>) semaphore(%arg12 : memref<!tpu.dma_semaphore, #tpu.memory_space<semaphore_mem>>)
    %scan3A_55 = arith.constant 0 : i32
    %scan3A_56 = arith.constant 0 : i32
    %scan3A_57 = arith.constant 20 : i32
    %scan3A_58 = arith.addi %scan3A_56, %scan3A_57 : i32
    %scan3A_59 = arith.constant 1 : i32
    scf.for %scan3A_69 = %scan3A_56 to %scan3A_58 step %scan3A_59  : i32 {
      %mul3A_70 = arith.constant 2 : i32
      %mul3A_71 = arith.muli %mul3A_70, %scan3A_69 : i32
      %add3A_72 = arith.constant 1 : i32
      %add3A_73 = arith.addi %mul3A_71, %add3A_72 : i32
      %dma_start3A_74 = arith.constant 0 : i32
      %dma_start3A_75 = tpu.memref_slice %arg7[%add3A_73, %dma_start3A_74] : memref<40x128xi32, #tpu.memory_space<vmem>> -> memref<1x128xi32, #tpu.memory_space<vmem>>
      %dma_start3A_76 = tpu.memref_squeeze %dma_start3A_75 : memref<1x128xi32, #tpu.memory_space<vmem>> -> memref<128xi32, #tpu.memory_space<vmem>>
      %dma_start3A_77 = arith.constant 0 : i32
      %dma_start3A_78 = arith.constant 0 : i32
      %dma_start3A_79 = tpu.memref_slice %arg4[%dma_start3A_77, %dma_start3A_78] : memref<10000x128xf32, #tpu.memory_space<hbm>> -> memref<10000x128xf32, #tpu.memory_space<hbm>>
      tpu.enqueue_indirect_dma source(%dma_start3A_79 : memref<10000x128xf32, #tpu.memory_space<hbm>>) target(%arg10 : memref<128x128xf32, #tpu.memory_space<vmem>>) offsets(%dma_start3A_76 : memref<128xi32, #tpu.memory_space<vmem>>) semaphore(%arg13 : memref<!tpu.dma_semaphore, #tpu.memory_space<semaphore_mem>>)
      %mul3A_80 = arith.constant 2 : i32
      %mul3A_81 = arith.muli %mul3A_80, %scan3A_69 : i32
      %dma_wait3A = arith.constant 0 : i32
      %dma_wait3A_82 = tpu.memref_slice %arg7[%mul3A_81, %dma_wait3A] : memref<40x128xi32, #tpu.memory_space<vmem>> -> memref<1x128xi32, #tpu.memory_space<vmem>>
      %dma_wait3A_83 = tpu.memref_squeeze %dma_wait3A_82 : memref<1x128xi32, #tpu.memory_space<vmem>> -> memref<128xi32, #tpu.memory_space<vmem>>
      %dma_wait3A_84 = arith.constant 0 : i32
      %dma_wait3A_85 = arith.constant 0 : i32
      %dma_wait3A_86 = tpu.memref_slice %arg4[%dma_wait3A_84, %dma_wait3A_85] : memref<10000x128xf32, #tpu.memory_space<hbm>> -> memref<10000x128xf32, #tpu.memory_space<hbm>>
      tpu.wait_indirect_dma semaphore(%arg12 : memref<!tpu.dma_semaphore, #tpu.memory_space<semaphore_mem>>) src(%dma_wait3A_86 : memref<10000x128xf32, #tpu.memory_space<hbm>>) dst(%arg9 : memref<128x128xf32, #tpu.memory_space<vmem>>)
      %mul3A_87 = arith.constant 2 : i32
      %mul3A_88 = arith.muli %mul3A_87, %scan3A_69 : i32
      "tpu.region"() ({
        %run_scoped3A = tpu.sem_alloc : memref<!tpu.dma_semaphore, #tpu.memory_space<semaphore_mem>>
        %dma_start3A_105 = arith.constant 0 : i32
        %dma_start3A_106 = tpu.memref_slice %arg8[%mul3A_88, %dma_start3A_105] : memref<40x128xi32, #tpu.memory_space<vmem>> -> memref<1x128xi32, #tpu.memory_space<vmem>>
        %dma_start3A_107 = tpu.memref_squeeze %dma_start3A_106 : memref<1x128xi32, #tpu.memory_space<vmem>> -> memref<128xi32, #tpu.memory_space<vmem>>
        %dma_start3A_108 = arith.constant 0 : i32
        %dma_start3A_109 = arith.constant 0 : i32
        %dma_start3A_110 = tpu.memref_slice %arg11[%dma_start3A_108, %dma_start3A_109] : memref<10240x128xf32, #tpu.memory_space<vmem_shared>> -> memref<10240x128xf32, #tpu.memory_space<vmem_shared>>
        tpu.enqueue_indirect_dma source(%arg9 : memref<128x128xf32, #tpu.memory_space<vmem>>) target(%dma_start3A_110 : memref<10240x128xf32, #tpu.memory_space<vmem_shared>>) offsets(%dma_start3A_107 : memref<128xi32, #tpu.memory_space<vmem>>) semaphore(%run_scoped3A : memref<!tpu.dma_semaphore, #tpu.memory_space<semaphore_mem>>) {add = true}
        %dma_wait3A_111 = arith.constant 0 : i32
        %dma_wait3A_112 = tpu.memref_slice %arg8[%mul3A_88, %dma_wait3A_111] : memref<40x128xi32, #tpu.memory_space<vmem>> -> memref<1x128xi32, #tpu.memory_space<vmem>>
        %dma_wait3A_113 = tpu.memref_squeeze %dma_wait3A_112 : memref<1x128xi32, #tpu.memory_space<vmem>> -> memref<128xi32, #tpu.memory_space<vmem>>
        %dma_wait3A_114 = arith.constant 0 : i32
        %dma_wait3A_115 = arith.constant 0 : i32
        %dma_wait3A_116 = tpu.memref_slice %arg11[%dma_wait3A_114, %dma_wait3A_115] : memref<10240x128xf32, #tpu.memory_space<vmem_shared>> -> memref<10240x128xf32, #tpu.memory_space<vmem_shared>>
        tpu.wait_indirect_dma semaphore(%run_scoped3A : memref<!tpu.dma_semaphore, #tpu.memory_space<semaphore_mem>>) src(%arg9 : memref<128x128xf32, #tpu.memory_space<vmem>>) dst(%dma_wait3A_116 : memref<10240x128xf32, #tpu.memory_space<vmem_shared>>)
        tpu.yield
      }) : () -> ()
      %lt3A = arith.constant 19 : i32
      %lt3A_89 = arith.cmpi slt, %scan3A_69, %lt3A : i32
      %convert_element_type3A = arith.extui %lt3A_89 : i1 to i32
      %cond3A = arith.constant 0 : i32
      %cond3A_90 = arith.cmpi ne, %convert_element_type3A, %cond3A : i32
      scf.if %cond3A_90 {
        %mul3A_105 = arith.constant 2 : i32
        %mul3A_106 = arith.muli %mul3A_105, %scan3A_69 : i32
        %add3A_107 = arith.constant 2 : i32
        %add3A_108 = arith.addi %mul3A_106, %add3A_107 : i32
        %dma_start3A_109 = arith.constant 0 : i32
        %dma_start3A_110 = tpu.memref_slice %arg7[%add3A_108, %dma_start3A_109] : memref<40x128xi32, #tpu.memory_space<vmem>> -> memref<1x128xi32, #tpu.memory_space<vmem>>
        %dma_start3A_111 = tpu.memref_squeeze %dma_start3A_110 : memref<1x128xi32, #tpu.memory_space<vmem>> -> memref<128xi32, #tpu.memory_space<vmem>>
        %dma_start3A_112 = arith.constant 0 : i32
        %dma_start3A_113 = arith.constant 0 : i32
        %dma_start3A_114 = tpu.memref_slice %arg4[%dma_start3A_112, %dma_start3A_113] : memref<10000x128xf32, #tpu.memory_space<hbm>> -> memref<10000x128xf32, #tpu.memory_space<hbm>>
        tpu.enqueue_indirect_dma source(%dma_start3A_114 : memref<10000x128xf32, #tpu.memory_space<hbm>>) target(%arg9 : memref<128x128xf32, #tpu.memory_space<vmem>>) offsets(%dma_start3A_111 : memref<128xi32, #tpu.memory_space<vmem>>) semaphore(%arg12 : memref<!tpu.dma_semaphore, #tpu.memory_space<semaphore_mem>>)
      } else {
      }
      %mul3A_91 = arith.constant 2 : i32
      %mul3A_92 = arith.muli %mul3A_91, %scan3A_69 : i32
      %add3A_93 = arith.constant 1 : i32
      %add3A_94 = arith.addi %mul3A_92, %add3A_93 : i32
      %dma_wait3A_95 = arith.constant 0 : i32
      %dma_wait3A_96 = tpu.memref_slice %arg7[%add3A_94, %dma_wait3A_95] : memref<40x128xi32, #tpu.memory_space<vmem>> -> memref<1x128xi32, #tpu.memory_space<vmem>>
      %dma_wait3A_97 = tpu.memref_squeeze %dma_wait3A_96 : memref<1x128xi32, #tpu.memory_space<vmem>> -> memref<128xi32, #tpu.memory_space<vmem>>
      %dma_wait3A_98 = arith.constant 0 : i32
      %dma_wait3A_99 = arith.constant 0 : i32
      %dma_wait3A_100 = tpu.memref_slice %arg4[%dma_wait3A_98, %dma_wait3A_99] : memref<10000x128xf32, #tpu.memory_space<hbm>> -> memref<10000x128xf32, #tpu.memory_space<hbm>>
      tpu.wait_indirect_dma semaphore(%arg13 : memref<!tpu.dma_semaphore, #tpu.memory_space<semaphore_mem>>) src(%dma_wait3A_100 : memref<10000x128xf32, #tpu.memory_space<hbm>>) dst(%arg10 : memref<128x128xf32, #tpu.memory_space<vmem>>)
      %mul3A_101 = arith.constant 2 : i32
      %mul3A_102 = arith.muli %mul3A_101, %scan3A_69 : i32
      %add3A_103 = arith.constant 1 : i32
      %add3A_104 = arith.addi %mul3A_102, %add3A_103 : i32
      "tpu.region"() ({
        %run_scoped3A = tpu.sem_alloc : memref<!tpu.dma_semaphore, #tpu.memory_space<semaphore_mem>>
        %dma_start3A_105 = arith.constant 0 : i32
        %dma_start3A_106 = tpu.memref_slice %arg8[%add3A_104, %dma_start3A_105] : memref<40x128xi32, #tpu.memory_space<vmem>> -> memref<1x128xi32, #tpu.memory_space<vmem>>
        %dma_start3A_107 = tpu.memref_squeeze %dma_start3A_106 : memref<1x128xi32, #tpu.memory_space<vmem>> -> memref<128xi32, #tpu.memory_space<vmem>>
        %dma_start3A_108 = arith.constant 0 : i32
        %dma_start3A_109 = arith.constant 0 : i32
        %dma_start3A_110 = tpu.memref_slice %arg11[%dma_start3A_108, %dma_start3A_109] : memref<10240x128xf32, #tpu.memory_space<vmem_shared>> -> memref<10240x128xf32, #tpu.memory_space<vmem_shared>>
        tpu.enqueue_indirect_dma source(%arg10 : memref<128x128xf32, #tpu.memory_space<vmem>>) target(%dma_start3A_110 : memref<10240x128xf32, #tpu.memory_space<vmem_shared>>) offsets(%dma_start3A_107 : memref<128xi32, #tpu.memory_space<vmem>>) semaphore(%run_scoped3A : memref<!tpu.dma_semaphore, #tpu.memory_space<semaphore_mem>>) {add = true}
        %dma_wait3A_111 = arith.constant 0 : i32
        %dma_wait3A_112 = tpu.memref_slice %arg8[%add3A_104, %dma_wait3A_111] : memref<40x128xi32, #tpu.memory_space<vmem>> -> memref<1x128xi32, #tpu.memory_space<vmem>>
        %dma_wait3A_113 = tpu.memref_squeeze %dma_wait3A_112 : memref<1x128xi32, #tpu.memory_space<vmem>> -> memref<128xi32, #tpu.memory_space<vmem>>
        %dma_wait3A_114 = arith.constant 0 : i32
        %dma_wait3A_115 = arith.constant 0 : i32
        %dma_wait3A_116 = tpu.memref_slice %arg11[%dma_wait3A_114, %dma_wait3A_115] : memref<10240x128xf32, #tpu.memory_space<vmem_shared>> -> memref<10240x128xf32, #tpu.memory_space<vmem_shared>>
        tpu.wait_indirect_dma semaphore(%run_scoped3A : memref<!tpu.dma_semaphore, #tpu.memory_space<semaphore_mem>>) src(%arg10 : memref<128x128xf32, #tpu.memory_space<vmem>>) dst(%dma_wait3A_116 : memref<10240x128xf32, #tpu.memory_space<vmem_shared>>)
        tpu.yield
      }) : () -> ()
    }
    %scan3A_60 = arith.constant 20 : i32
    %barrier3A_61 = arith.constant 0 : index
    tpu.barrier barrier_id(%barrier3A_61)
    %mul3A_62 = arith.constant 640 : i32
    %mul3A_63 = arith.muli %arg1, %mul3A_62 : i32
    %mul3A_64 = arith.constant 10240 : i32
    %mul3A_65 = arith.muli %arg0, %mul3A_64 : i32
    %mul3A_66 = arith.constant 640 : i32
    %mul3A_67 = arith.muli %arg1, %mul3A_66 : i32
    %add3A_68 = arith.addi %mul3A_65, %mul3A_67 : i32
    "tpu.region"() ({
      %run_scoped3A = tpu.sem_alloc : memref<!tpu.dma_semaphore, #tpu.memory_space<semaphore_mem>>
      %dma_start3A_69 = arith.constant 0 : i32
      %dma_start3A_70 = tpu.memref_slice %arg6[%add3A_68, %dma_start3A_69] : memref<20480x128xf32, #tpu.memory_space<hbm>> -> memref<640x128xf32, #tpu.memory_space<hbm>>
      %dma_start3A_71 = arith.constant 0 : i32
      %dma_start3A_72 = tpu.memref_slice %arg11[%mul3A_63, %dma_start3A_71] : memref<10240x128xf32, #tpu.memory_space<vmem_shared>> -> memref<640x128xf32, #tpu.memory_space<vmem_shared>>
      tpu.enqueue_dma source(%dma_start3A_72 : memref<640x128xf32, #tpu.memory_space<vmem_shared>>) target(%dma_start3A_70 : memref<640x128xf32, #tpu.memory_space<hbm>>) target_semaphore(%run_scoped3A : memref<!tpu.dma_semaphore, #tpu.memory_space<semaphore_mem>>)
      %dma_wait3A = arith.constant 0 : i32
      %dma_wait3A_73 = tpu.memref_slice %arg6[%add3A_68, %dma_wait3A] : memref<20480x128xf32, #tpu.memory_space<hbm>> -> memref<640x128xf32, #tpu.memory_space<hbm>>
      %dma_wait3A_74 = arith.constant 0 : i32
      %dma_wait3A_75 = tpu.memref_slice %arg11[%mul3A_63, %dma_wait3A_74] : memref<10240x128xf32, #tpu.memory_space<vmem_shared>> -> memref<640x128xf32, #tpu.memory_space<vmem_shared>>
      tpu.wait_dma2 semaphore(%run_scoped3A : memref<!tpu.dma_semaphore, #tpu.memory_space<semaphore_mem>>) src(%dma_wait3A_75 : memref<640x128xf32, #tpu.memory_space<vmem_shared>>) dst(%dma_wait3A_73 : memref<640x128xf32, #tpu.memory_space<hbm>>)
      tpu.yield
    }) : () -> ()
    return
  }
}

#map = affine_map<(d0, d1) -> (0, 0)>
module attributes {stable_mosaic.version = 14 : i64} {
  func.func @prop_sc(%arg0: i32, %arg1: i32, %arg2: memref<2560x128xi32, #tpu.memory_space<hbm>>, %arg3: memref<2560x128xi32, #tpu.memory_space<hbm>>, %arg4: memref<10000x128xf32, #tpu.memory_space<hbm>>, %arg5: memref<128x128xf32, #tpu.memory_space<hbm>>, %arg6: memref<20480x128xf32, #tpu.memory_space<hbm>>, %arg7: memref<40x128xi32, #tpu.memory_space<vmem>>, %arg8: memref<40x128xi32, #tpu.memory_space<vmem>>, %arg9: memref<128x128xf32, #tpu.memory_space<vmem>>, %arg10: memref<128x128xf32, #tpu.memory_space<vmem>>, %arg11: memref<10240x128xf32, #tpu.memory_space<vmem_shared>>, %arg12: memref<!tpu.dma_semaphore, #tpu.memory_space<semaphore_mem>>, %arg13: memref<!tpu.dma_semaphore, #tpu.memory_space<semaphore_mem>>) attributes {dimension_semantics = [#tpu.dimension_semantics<core_parallel>, #tpu.dimension_semantics<subcore_parallel>], iteration_bounds = array<i64: 2, 16>, scalar_prefetch = 0 : i64, scratch_operands = 7 : i64, tpu.core_type = #tpu.core_type<sc_vector_subcore>, window_params = [{transform_indices = #map}, {transform_indices = #map}, {transform_indices = #map}, {transform_indices = #map}, {transform_indices = #map}]} {
    %mul3A = arith.constant 16 : i32
    %mul3A_0 = arith.muli %arg0, %mul3A : i32
    %add3A = arith.addi %mul3A_0, %arg1 : i32
    %mul3A_1 = arith.constant 640 : i32
    %mul3A_2 = arith.muli %arg1, %mul3A_1 : i32
    %add3A_3 = arith.constant 0 : i32
    %add3A_4 = arith.addi %mul3A_2, %add3A_3 : i32
    "tpu.region"() ({
      %run_scoped3A = tpu.sem_alloc : memref<!tpu.dma_semaphore, #tpu.memory_space<semaphore_mem>>
      %dma_start3A_69 = arith.constant 0 : i32
      %dma_start3A_70 = tpu.memref_slice %arg11[%add3A_4, %dma_start3A_69] : memref<10240x128xf32, #tpu.memory_space<vmem_shared>> -> memref<128x128xf32, #tpu.memory_space<vmem_shared>>
      tpu.enqueue_dma source(%arg5 : memref<128x128xf32, #tpu.memory_space<hbm>>) target(%dma_start3A_70 : memref<128x128xf32, #tpu.memory_space<vmem_shared>>) target_semaphore(%run_scoped3A : memref<!tpu.dma_semaphore, #tpu.memory_space<semaphore_mem>>)
      %dma_wait3A = arith.constant 0 : i32
      %dma_wait3A_71 = tpu.memref_slice %arg11[%add3A_4, %dma_wait3A] : memref<10240x128xf32, #tpu.memory_space<vmem_shared>> -> memref<128x128xf32, #tpu.memory_space<vmem_shared>>
      tpu.wait_dma2 semaphore(%run_scoped3A : memref<!tpu.dma_semaphore, #tpu.memory_space<semaphore_mem>>) src(%arg5 : memref<128x128xf32, #tpu.memory_space<hbm>>) dst(%dma_wait3A_71 : memref<128x128xf32, #tpu.memory_space<vmem_shared>>)
      tpu.yield
    }) : () -> ()
    %mul3A_5 = arith.constant 640 : i32
    %mul3A_6 = arith.muli %arg1, %mul3A_5 : i32
    %add3A_7 = arith.constant 128 : i32
    %add3A_8 = arith.addi %mul3A_6, %add3A_7 : i32
    "tpu.region"() ({
      %run_scoped3A = tpu.sem_alloc : memref<!tpu.dma_semaphore, #tpu.memory_space<semaphore_mem>>
      %dma_start3A_69 = arith.constant 0 : i32
      %dma_start3A_70 = tpu.memref_slice %arg11[%add3A_8, %dma_start3A_69] : memref<10240x128xf32, #tpu.memory_space<vmem_shared>> -> memref<128x128xf32, #tpu.memory_space<vmem_shared>>
      tpu.enqueue_dma source(%arg5 : memref<128x128xf32, #tpu.memory_space<hbm>>) target(%dma_start3A_70 : memref<128x128xf32, #tpu.memory_space<vmem_shared>>) target_semaphore(%run_scoped3A : memref<!tpu.dma_semaphore, #tpu.memory_space<semaphore_mem>>)
      %dma_wait3A = arith.constant 0 : i32
      %dma_wait3A_71 = tpu.memref_slice %arg11[%add3A_8, %dma_wait3A] : memref<10240x128xf32, #tpu.memory_space<vmem_shared>> -> memref<128x128xf32, #tpu.memory_space<vmem_shared>>
      tpu.wait_dma2 semaphore(%run_scoped3A : memref<!tpu.dma_semaphore, #tpu.memory_space<semaphore_mem>>) src(%arg5 : memref<128x128xf32, #tpu.memory_space<hbm>>) dst(%dma_wait3A_71 : memref<128x128xf32, #tpu.memory_space<vmem_shared>>)
      tpu.yield
    }) : () -> ()
    %mul3A_9 = arith.constant 640 : i32
    %mul3A_10 = arith.muli %arg1, %mul3A_9 : i32
    %add3A_11 = arith.constant 256 : i32
    %add3A_12 = arith.addi %mul3A_10, %add3A_11 : i32
    "tpu.region"() ({
      %run_scoped3A = tpu.sem_alloc : memref<!tpu.dma_semaphore, #tpu.memory_space<semaphore_mem>>
      %dma_start3A_69 = arith.constant 0 : i32
      %dma_start3A_70 = tpu.memref_slice %arg11[%add3A_12, %dma_start3A_69] : memref<10240x128xf32, #tpu.memory_space<vmem_shared>> -> memref<128x128xf32, #tpu.memory_space<vmem_shared>>
      tpu.enqueue_dma source(%arg5 : memref<128x128xf32, #tpu.memory_space<hbm>>) target(%dma_start3A_70 : memref<128x128xf32, #tpu.memory_space<vmem_shared>>) target_semaphore(%run_scoped3A : memref<!tpu.dma_semaphore, #tpu.memory_space<semaphore_mem>>)
      %dma_wait3A = arith.constant 0 : i32
      %dma_wait3A_71 = tpu.memref_slice %arg11[%add3A_12, %dma_wait3A] : memref<10240x128xf32, #tpu.memory_space<vmem_shared>> -> memref<128x128xf32, #tpu.memory_space<vmem_shared>>
      tpu.wait_dma2 semaphore(%run_scoped3A : memref<!tpu.dma_semaphore, #tpu.memory_space<semaphore_mem>>) src(%arg5 : memref<128x128xf32, #tpu.memory_space<hbm>>) dst(%dma_wait3A_71 : memref<128x128xf32, #tpu.memory_space<vmem_shared>>)
      tpu.yield
    }) : () -> ()
    %mul3A_13 = arith.constant 640 : i32
    %mul3A_14 = arith.muli %arg1, %mul3A_13 : i32
    %add3A_15 = arith.constant 384 : i32
    %add3A_16 = arith.addi %mul3A_14, %add3A_15 : i32
    "tpu.region"() ({
      %run_scoped3A = tpu.sem_alloc : memref<!tpu.dma_semaphore, #tpu.memory_space<semaphore_mem>>
      %dma_start3A_69 = arith.constant 0 : i32
      %dma_start3A_70 = tpu.memref_slice %arg11[%add3A_16, %dma_start3A_69] : memref<10240x128xf32, #tpu.memory_space<vmem_shared>> -> memref<128x128xf32, #tpu.memory_space<vmem_shared>>
      tpu.enqueue_dma source(%arg5 : memref<128x128xf32, #tpu.memory_space<hbm>>) target(%dma_start3A_70 : memref<128x128xf32, #tpu.memory_space<vmem_shared>>) target_semaphore(%run_scoped3A : memref<!tpu.dma_semaphore, #tpu.memory_space<semaphore_mem>>)
      %dma_wait3A = arith.constant 0 : i32
      %dma_wait3A_71 = tpu.memref_slice %arg11[%add3A_16, %dma_wait3A] : memref<10240x128xf32, #tpu.memory_space<vmem_shared>> -> memref<128x128xf32, #tpu.memory_space<vmem_shared>>
      tpu.wait_dma2 semaphore(%run_scoped3A : memref<!tpu.dma_semaphore, #tpu.memory_space<semaphore_mem>>) src(%arg5 : memref<128x128xf32, #tpu.memory_space<hbm>>) dst(%dma_wait3A_71 : memref<128x128xf32, #tpu.memory_space<vmem_shared>>)
      tpu.yield
    }) : () -> ()
    %mul3A_17 = arith.constant 640 : i32
    %mul3A_18 = arith.muli %arg1, %mul3A_17 : i32
    %add3A_19 = arith.constant 512 : i32
    %add3A_20 = arith.addi %mul3A_18, %add3A_19 : i32
    "tpu.region"() ({
      %run_scoped3A = tpu.sem_alloc : memref<!tpu.dma_semaphore, #tpu.memory_space<semaphore_mem>>
      %dma_start3A_69 = arith.constant 0 : i32
      %dma_start3A_70 = tpu.memref_slice %arg11[%add3A_20, %dma_start3A_69] : memref<10240x128xf32, #tpu.memory_space<vmem_shared>> -> memref<128x128xf32, #tpu.memory_space<vmem_shared>>
      tpu.enqueue_dma source(%arg5 : memref<128x128xf32, #tpu.memory_space<hbm>>) target(%dma_start3A_70 : memref<128x128xf32, #tpu.memory_space<vmem_shared>>) target_semaphore(%run_scoped3A : memref<!tpu.dma_semaphore, #tpu.memory_space<semaphore_mem>>)
      %dma_wait3A = arith.constant 0 : i32
      %dma_wait3A_71 = tpu.memref_slice %arg11[%add3A_20, %dma_wait3A] : memref<10240x128xf32, #tpu.memory_space<vmem_shared>> -> memref<128x128xf32, #tpu.memory_space<vmem_shared>>
      tpu.wait_dma2 semaphore(%run_scoped3A : memref<!tpu.dma_semaphore, #tpu.memory_space<semaphore_mem>>) src(%arg5 : memref<128x128xf32, #tpu.memory_space<hbm>>) dst(%dma_wait3A_71 : memref<128x128xf32, #tpu.memory_space<vmem_shared>>)
      tpu.yield
    }) : () -> ()
    %barrier3A = arith.constant 0 : index
    tpu.barrier barrier_id(%barrier3A)
    %mul3A_21 = arith.constant 80 : i32
    %mul3A_22 = arith.muli %add3A, %mul3A_21 : i32
    %add3A_23 = arith.constant 0 : i32
    %add3A_24 = arith.addi %mul3A_22, %add3A_23 : i32
    "tpu.region"() ({
      %run_scoped3A = tpu.sem_alloc : memref<!tpu.dma_semaphore, #tpu.memory_space<semaphore_mem>>
      %dma_start3A_69 = arith.constant 0 : i32
      %dma_start3A_70 = tpu.memref_slice %arg2[%add3A_24, %dma_start3A_69] : memref<2560x128xi32, #tpu.memory_space<hbm>> -> memref<40x128xi32, #tpu.memory_space<hbm>>
      %dma_start3A_71 = arith.constant 0 : i32
      %dma_start3A_72 = tpu.memref_slice %arg2[%add3A_24, %dma_start3A_71] : memref<2560x128xi32, #tpu.memory_space<hbm>> -> memref<40x128xi32, #tpu.memory_space<hbm>>
      tpu.enqueue_dma source(%dma_start3A_72 : memref<40x128xi32, #tpu.memory_space<hbm>>) target(%arg7 : memref<40x128xi32, #tpu.memory_space<vmem>>) target_semaphore(%run_scoped3A : memref<!tpu.dma_semaphore, #tpu.memory_space<semaphore_mem>>)
      %dma_wait3A = arith.constant 0 : i32
      %dma_wait3A_73 = tpu.memref_slice %arg2[%add3A_24, %dma_wait3A] : memref<2560x128xi32, #tpu.memory_space<hbm>> -> memref<40x128xi32, #tpu.memory_space<hbm>>
      %dma_wait3A_74 = arith.constant 0 : i32
      %dma_wait3A_75 = tpu.memref_slice %arg2[%add3A_24, %dma_wait3A_74] : memref<2560x128xi32, #tpu.memory_space<hbm>> -> memref<40x128xi32, #tpu.memory_space<hbm>>
      tpu.wait_dma2 semaphore(%run_scoped3A : memref<!tpu.dma_semaphore, #tpu.memory_space<semaphore_mem>>) src(%dma_wait3A_75 : memref<40x128xi32, #tpu.memory_space<hbm>>) dst(%arg7 : memref<40x128xi32, #tpu.memory_space<vmem>>)
      tpu.yield
    }) : () -> ()
    %mul3A_25 = arith.constant 80 : i32
    %mul3A_26 = arith.muli %add3A, %mul3A_25 : i32
    %add3A_27 = arith.constant 0 : i32
    %add3A_28 = arith.addi %mul3A_26, %add3A_27 : i32
    "tpu.region"() ({
      %run_scoped3A = tpu.sem_alloc : memref<!tpu.dma_semaphore, #tpu.memory_space<semaphore_mem>>
      %dma_start3A_69 = arith.constant 0 : i32
      %dma_start3A_70 = tpu.memref_slice %arg3[%add3A_28, %dma_start3A_69] : memref<2560x128xi32, #tpu.memory_space<hbm>> -> memref<40x128xi32, #tpu.memory_space<hbm>>
      %dma_start3A_71 = arith.constant 0 : i32
      %dma_start3A_72 = tpu.memref_slice %arg3[%add3A_28, %dma_start3A_71] : memref<2560x128xi32, #tpu.memory_space<hbm>> -> memref<40x128xi32, #tpu.memory_space<hbm>>
      tpu.enqueue_dma source(%dma_start3A_72 : memref<40x128xi32, #tpu.memory_space<hbm>>) target(%arg8 : memref<40x128xi32, #tpu.memory_space<vmem>>) target_semaphore(%run_scoped3A : memref<!tpu.dma_semaphore, #tpu.memory_space<semaphore_mem>>)
      %dma_wait3A = arith.constant 0 : i32
      %dma_wait3A_73 = tpu.memref_slice %arg3[%add3A_28, %dma_wait3A] : memref<2560x128xi32, #tpu.memory_space<hbm>> -> memref<40x128xi32, #tpu.memory_space<hbm>>
      %dma_wait3A_74 = arith.constant 0 : i32
      %dma_wait3A_75 = tpu.memref_slice %arg3[%add3A_28, %dma_wait3A_74] : memref<2560x128xi32, #tpu.memory_space<hbm>> -> memref<40x128xi32, #tpu.memory_space<hbm>>
      tpu.wait_dma2 semaphore(%run_scoped3A : memref<!tpu.dma_semaphore, #tpu.memory_space<semaphore_mem>>) src(%dma_wait3A_75 : memref<40x128xi32, #tpu.memory_space<hbm>>) dst(%arg8 : memref<40x128xi32, #tpu.memory_space<vmem>>)
      tpu.yield
    }) : () -> ()
    %dma_start3A = arith.constant 0 : i32
    %dma_start3A_29 = arith.constant 0 : i32
    %dma_start3A_30 = tpu.memref_slice %arg7[%dma_start3A, %dma_start3A_29] : memref<40x128xi32, #tpu.memory_space<vmem>> -> memref<1x128xi32, #tpu.memory_space<vmem>>
    %dma_start3A_31 = tpu.memref_squeeze %dma_start3A_30 : memref<1x128xi32, #tpu.memory_space<vmem>> -> memref<128xi32, #tpu.memory_space<vmem>>
    %dma_start3A_32 = arith.constant 0 : i32
    %dma_start3A_33 = arith.constant 0 : i32
    %dma_start3A_34 = tpu.memref_slice %arg4[%dma_start3A_32, %dma_start3A_33] : memref<10000x128xf32, #tpu.memory_space<hbm>> -> memref<10000x128xf32, #tpu.memory_space<hbm>>
    tpu.enqueue_indirect_dma source(%dma_start3A_34 : memref<10000x128xf32, #tpu.memory_space<hbm>>) target(%arg9 : memref<128x128xf32, #tpu.memory_space<vmem>>) offsets(%dma_start3A_31 : memref<128xi32, #tpu.memory_space<vmem>>) semaphore(%arg12 : memref<!tpu.dma_semaphore, #tpu.memory_space<semaphore_mem>>)
    %scan3A = arith.constant 0 : i32
    %scan3A_35 = arith.constant 0 : i32
    %scan3A_36 = arith.constant 20 : i32
    %scan3A_37 = arith.addi %scan3A_35, %scan3A_36 : i32
    %scan3A_38 = arith.constant 1 : i32
    scf.for %scan3A_69 = %scan3A_35 to %scan3A_37 step %scan3A_38  : i32 {
      %mul3A_70 = arith.constant 2 : i32
      %mul3A_71 = arith.muli %mul3A_70, %scan3A_69 : i32
      %add3A_72 = arith.constant 1 : i32
      %add3A_73 = arith.addi %mul3A_71, %add3A_72 : i32
      %dma_start3A_74 = arith.constant 0 : i32
      %dma_start3A_75 = tpu.memref_slice %arg7[%add3A_73, %dma_start3A_74] : memref<40x128xi32, #tpu.memory_space<vmem>> -> memref<1x128xi32, #tpu.memory_space<vmem>>
      %dma_start3A_76 = tpu.memref_squeeze %dma_start3A_75 : memref<1x128xi32, #tpu.memory_space<vmem>> -> memref<128xi32, #tpu.memory_space<vmem>>
      %dma_start3A_77 = arith.constant 0 : i32
      %dma_start3A_78 = arith.constant 0 : i32
      %dma_start3A_79 = tpu.memref_slice %arg4[%dma_start3A_77, %dma_start3A_78] : memref<10000x128xf32, #tpu.memory_space<hbm>> -> memref<10000x128xf32, #tpu.memory_space<hbm>>
      tpu.enqueue_indirect_dma source(%dma_start3A_79 : memref<10000x128xf32, #tpu.memory_space<hbm>>) target(%arg10 : memref<128x128xf32, #tpu.memory_space<vmem>>) offsets(%dma_start3A_76 : memref<128xi32, #tpu.memory_space<vmem>>) semaphore(%arg13 : memref<!tpu.dma_semaphore, #tpu.memory_space<semaphore_mem>>)
      %mul3A_80 = arith.constant 2 : i32
      %mul3A_81 = arith.muli %mul3A_80, %scan3A_69 : i32
      %dma_wait3A = arith.constant 0 : i32
      %dma_wait3A_82 = tpu.memref_slice %arg7[%mul3A_81, %dma_wait3A] : memref<40x128xi32, #tpu.memory_space<vmem>> -> memref<1x128xi32, #tpu.memory_space<vmem>>
      %dma_wait3A_83 = tpu.memref_squeeze %dma_wait3A_82 : memref<1x128xi32, #tpu.memory_space<vmem>> -> memref<128xi32, #tpu.memory_space<vmem>>
      %dma_wait3A_84 = arith.constant 0 : i32
      %dma_wait3A_85 = arith.constant 0 : i32
      %dma_wait3A_86 = tpu.memref_slice %arg4[%dma_wait3A_84, %dma_wait3A_85] : memref<10000x128xf32, #tpu.memory_space<hbm>> -> memref<10000x128xf32, #tpu.memory_space<hbm>>
      tpu.wait_indirect_dma semaphore(%arg12 : memref<!tpu.dma_semaphore, #tpu.memory_space<semaphore_mem>>) src(%dma_wait3A_86 : memref<10000x128xf32, #tpu.memory_space<hbm>>) dst(%arg9 : memref<128x128xf32, #tpu.memory_space<vmem>>)
      %mul3A_87 = arith.constant 2 : i32
      %mul3A_88 = arith.muli %mul3A_87, %scan3A_69 : i32
      "tpu.region"() ({
        %run_scoped3A = tpu.sem_alloc : memref<!tpu.dma_semaphore, #tpu.memory_space<semaphore_mem>>
        %dma_start3A_105 = arith.constant 0 : i32
        %dma_start3A_106 = tpu.memref_slice %arg8[%mul3A_88, %dma_start3A_105] : memref<40x128xi32, #tpu.memory_space<vmem>> -> memref<1x128xi32, #tpu.memory_space<vmem>>
        %dma_start3A_107 = tpu.memref_squeeze %dma_start3A_106 : memref<1x128xi32, #tpu.memory_space<vmem>> -> memref<128xi32, #tpu.memory_space<vmem>>
        %dma_start3A_108 = arith.constant 0 : i32
        %dma_start3A_109 = arith.constant 0 : i32
        %dma_start3A_110 = tpu.memref_slice %arg11[%dma_start3A_108, %dma_start3A_109] : memref<10240x128xf32, #tpu.memory_space<vmem_shared>> -> memref<10240x128xf32, #tpu.memory_space<vmem_shared>>
        tpu.enqueue_indirect_dma source(%arg9 : memref<128x128xf32, #tpu.memory_space<vmem>>) target(%dma_start3A_110 : memref<10240x128xf32, #tpu.memory_space<vmem_shared>>) offsets(%dma_start3A_107 : memref<128xi32, #tpu.memory_space<vmem>>) semaphore(%run_scoped3A : memref<!tpu.dma_semaphore, #tpu.memory_space<semaphore_mem>>) {add = true}
        %dma_wait3A_111 = arith.constant 0 : i32
        %dma_wait3A_112 = tpu.memref_slice %arg8[%mul3A_88, %dma_wait3A_111] : memref<40x128xi32, #tpu.memory_space<vmem>> -> memref<1x128xi32, #tpu.memory_space<vmem>>
        %dma_wait3A_113 = tpu.memref_squeeze %dma_wait3A_112 : memref<1x128xi32, #tpu.memory_space<vmem>> -> memref<128xi32, #tpu.memory_space<vmem>>
        %dma_wait3A_114 = arith.constant 0 : i32
        %dma_wait3A_115 = arith.constant 0 : i32
        %dma_wait3A_116 = tpu.memref_slice %arg11[%dma_wait3A_114, %dma_wait3A_115] : memref<10240x128xf32, #tpu.memory_space<vmem_shared>> -> memref<10240x128xf32, #tpu.memory_space<vmem_shared>>
        tpu.wait_indirect_dma semaphore(%run_scoped3A : memref<!tpu.dma_semaphore, #tpu.memory_space<semaphore_mem>>) src(%arg9 : memref<128x128xf32, #tpu.memory_space<vmem>>) dst(%dma_wait3A_116 : memref<10240x128xf32, #tpu.memory_space<vmem_shared>>)
        tpu.yield
      }) : () -> ()
      %lt3A = arith.constant 19 : i32
      %lt3A_89 = arith.cmpi slt, %scan3A_69, %lt3A : i32
      %convert_element_type3A = arith.extui %lt3A_89 : i1 to i32
      %cond3A = arith.constant 0 : i32
      %cond3A_90 = arith.cmpi ne, %convert_element_type3A, %cond3A : i32
      scf.if %cond3A_90 {
        %mul3A_105 = arith.constant 2 : i32
        %mul3A_106 = arith.muli %mul3A_105, %scan3A_69 : i32
        %add3A_107 = arith.constant 2 : i32
        %add3A_108 = arith.addi %mul3A_106, %add3A_107 : i32
        %dma_start3A_109 = arith.constant 0 : i32
        %dma_start3A_110 = tpu.memref_slice %arg7[%add3A_108, %dma_start3A_109] : memref<40x128xi32, #tpu.memory_space<vmem>> -> memref<1x128xi32, #tpu.memory_space<vmem>>
        %dma_start3A_111 = tpu.memref_squeeze %dma_start3A_110 : memref<1x128xi32, #tpu.memory_space<vmem>> -> memref<128xi32, #tpu.memory_space<vmem>>
        %dma_start3A_112 = arith.constant 0 : i32
        %dma_start3A_113 = arith.constant 0 : i32
        %dma_start3A_114 = tpu.memref_slice %arg4[%dma_start3A_112, %dma_start3A_113] : memref<10000x128xf32, #tpu.memory_space<hbm>> -> memref<10000x128xf32, #tpu.memory_space<hbm>>
        tpu.enqueue_indirect_dma source(%dma_start3A_114 : memref<10000x128xf32, #tpu.memory_space<hbm>>) target(%arg9 : memref<128x128xf32, #tpu.memory_space<vmem>>) offsets(%dma_start3A_111 : memref<128xi32, #tpu.memory_space<vmem>>) semaphore(%arg12 : memref<!tpu.dma_semaphore, #tpu.memory_space<semaphore_mem>>)
      } else {
      }
      %mul3A_91 = arith.constant 2 : i32
      %mul3A_92 = arith.muli %mul3A_91, %scan3A_69 : i32
      %add3A_93 = arith.constant 1 : i32
      %add3A_94 = arith.addi %mul3A_92, %add3A_93 : i32
      %dma_wait3A_95 = arith.constant 0 : i32
      %dma_wait3A_96 = tpu.memref_slice %arg7[%add3A_94, %dma_wait3A_95] : memref<40x128xi32, #tpu.memory_space<vmem>> -> memref<1x128xi32, #tpu.memory_space<vmem>>
      %dma_wait3A_97 = tpu.memref_squeeze %dma_wait3A_96 : memref<1x128xi32, #tpu.memory_space<vmem>> -> memref<128xi32, #tpu.memory_space<vmem>>
      %dma_wait3A_98 = arith.constant 0 : i32
      %dma_wait3A_99 = arith.constant 0 : i32
      %dma_wait3A_100 = tpu.memref_slice %arg4[%dma_wait3A_98, %dma_wait3A_99] : memref<10000x128xf32, #tpu.memory_space<hbm>> -> memref<10000x128xf32, #tpu.memory_space<hbm>>
      tpu.wait_indirect_dma semaphore(%arg13 : memref<!tpu.dma_semaphore, #tpu.memory_space<semaphore_mem>>) src(%dma_wait3A_100 : memref<10000x128xf32, #tpu.memory_space<hbm>>) dst(%arg10 : memref<128x128xf32, #tpu.memory_space<vmem>>)
      %mul3A_101 = arith.constant 2 : i32
      %mul3A_102 = arith.muli %mul3A_101, %scan3A_69 : i32
      %add3A_103 = arith.constant 1 : i32
      %add3A_104 = arith.addi %mul3A_102, %add3A_103 : i32
      "tpu.region"() ({
        %run_scoped3A = tpu.sem_alloc : memref<!tpu.dma_semaphore, #tpu.memory_space<semaphore_mem>>
        %dma_start3A_105 = arith.constant 0 : i32
        %dma_start3A_106 = tpu.memref_slice %arg8[%add3A_104, %dma_start3A_105] : memref<40x128xi32, #tpu.memory_space<vmem>> -> memref<1x128xi32, #tpu.memory_space<vmem>>
        %dma_start3A_107 = tpu.memref_squeeze %dma_start3A_106 : memref<1x128xi32, #tpu.memory_space<vmem>> -> memref<128xi32, #tpu.memory_space<vmem>>
        %dma_start3A_108 = arith.constant 0 : i32
        %dma_start3A_109 = arith.constant 0 : i32
        %dma_start3A_110 = tpu.memref_slice %arg11[%dma_start3A_108, %dma_start3A_109] : memref<10240x128xf32, #tpu.memory_space<vmem_shared>> -> memref<10240x128xf32, #tpu.memory_space<vmem_shared>>
        tpu.enqueue_indirect_dma source(%arg10 : memref<128x128xf32, #tpu.memory_space<vmem>>) target(%dma_start3A_110 : memref<10240x128xf32, #tpu.memory_space<vmem_shared>>) offsets(%dma_start3A_107 : memref<128xi32, #tpu.memory_space<vmem>>) semaphore(%run_scoped3A : memref<!tpu.dma_semaphore, #tpu.memory_space<semaphore_mem>>) {add = true}
        %dma_wait3A_111 = arith.constant 0 : i32
        %dma_wait3A_112 = tpu.memref_slice %arg8[%add3A_104, %dma_wait3A_111] : memref<40x128xi32, #tpu.memory_space<vmem>> -> memref<1x128xi32, #tpu.memory_space<vmem>>
        %dma_wait3A_113 = tpu.memref_squeeze %dma_wait3A_112 : memref<1x128xi32, #tpu.memory_space<vmem>> -> memref<128xi32, #tpu.memory_space<vmem>>
        %dma_wait3A_114 = arith.constant 0 : i32
        %dma_wait3A_115 = arith.constant 0 : i32
        %dma_wait3A_116 = tpu.memref_slice %arg11[%dma_wait3A_114, %dma_wait3A_115] : memref<10240x128xf32, #tpu.memory_space<vmem_shared>> -> memref<10240x128xf32, #tpu.memory_space<vmem_shared>>
        tpu.wait_indirect_dma semaphore(%run_scoped3A : memref<!tpu.dma_semaphore, #tpu.memory_space<semaphore_mem>>) src(%arg10 : memref<128x128xf32, #tpu.memory_space<vmem>>) dst(%dma_wait3A_116 : memref<10240x128xf32, #tpu.memory_space<vmem_shared>>)
        tpu.yield
      }) : () -> ()
    }
    %scan3A_39 = arith.constant 20 : i32
    %mul3A_40 = arith.constant 80 : i32
    %mul3A_41 = arith.muli %add3A, %mul3A_40 : i32
    %add3A_42 = arith.constant 40 : i32
    %add3A_43 = arith.addi %mul3A_41, %add3A_42 : i32
    "tpu.region"() ({
      %run_scoped3A = tpu.sem_alloc : memref<!tpu.dma_semaphore, #tpu.memory_space<semaphore_mem>>
      %dma_start3A_69 = arith.constant 0 : i32
      %dma_start3A_70 = tpu.memref_slice %arg2[%add3A_43, %dma_start3A_69] : memref<2560x128xi32, #tpu.memory_space<hbm>> -> memref<40x128xi32, #tpu.memory_space<hbm>>
      %dma_start3A_71 = arith.constant 0 : i32
      %dma_start3A_72 = tpu.memref_slice %arg2[%add3A_43, %dma_start3A_71] : memref<2560x128xi32, #tpu.memory_space<hbm>> -> memref<40x128xi32, #tpu.memory_space<hbm>>
      tpu.enqueue_dma source(%dma_start3A_72 : memref<40x128xi32, #tpu.memory_space<hbm>>) target(%arg7 : memref<40x128xi32, #tpu.memory_space<vmem>>) target_semaphore(%run_scoped3A : memref<!tpu.dma_semaphore, #tpu.memory_space<semaphore_mem>>)
      %dma_wait3A = arith.constant 0 : i32
      %dma_wait3A_73 = tpu.memref_slice %arg2[%add3A_43, %dma_wait3A] : memref<2560x128xi32, #tpu.memory_space<hbm>> -> memref<40x128xi32, #tpu.memory_space<hbm>>
      %dma_wait3A_74 = arith.constant 0 : i32
      %dma_wait3A_75 = tpu.memref_slice %arg2[%add3A_43, %dma_wait3A_74] : memref<2560x128xi32, #tpu.memory_space<hbm>> -> memref<40x128xi32, #tpu.memory_space<hbm>>
      tpu.wait_dma2 semaphore(%run_scoped3A : memref<!tpu.dma_semaphore, #tpu.memory_space<semaphore_mem>>) src(%dma_wait3A_75 : memref<40x128xi32, #tpu.memory_space<hbm>>) dst(%arg7 : memref<40x128xi32, #tpu.memory_space<vmem>>)
      tpu.yield
    }) : () -> ()
    %mul3A_44 = arith.constant 80 : i32
    %mul3A_45 = arith.muli %add3A, %mul3A_44 : i32
    %add3A_46 = arith.constant 40 : i32
    %add3A_47 = arith.addi %mul3A_45, %add3A_46 : i32
    "tpu.region"() ({
      %run_scoped3A = tpu.sem_alloc : memref<!tpu.dma_semaphore, #tpu.memory_space<semaphore_mem>>
      %dma_start3A_69 = arith.constant 0 : i32
      %dma_start3A_70 = tpu.memref_slice %arg3[%add3A_47, %dma_start3A_69] : memref<2560x128xi32, #tpu.memory_space<hbm>> -> memref<40x128xi32, #tpu.memory_space<hbm>>
      %dma_start3A_71 = arith.constant 0 : i32
      %dma_start3A_72 = tpu.memref_slice %arg3[%add3A_47, %dma_start3A_71] : memref<2560x128xi32, #tpu.memory_space<hbm>> -> memref<40x128xi32, #tpu.memory_space<hbm>>
      tpu.enqueue_dma source(%dma_start3A_72 : memref<40x128xi32, #tpu.memory_space<hbm>>) target(%arg8 : memref<40x128xi32, #tpu.memory_space<vmem>>) target_semaphore(%run_scoped3A : memref<!tpu.dma_semaphore, #tpu.memory_space<semaphore_mem>>)
      %dma_wait3A = arith.constant 0 : i32
      %dma_wait3A_73 = tpu.memref_slice %arg3[%add3A_47, %dma_wait3A] : memref<2560x128xi32, #tpu.memory_space<hbm>> -> memref<40x128xi32, #tpu.memory_space<hbm>>
      %dma_wait3A_74 = arith.constant 0 : i32
      %dma_wait3A_75 = tpu.memref_slice %arg3[%add3A_47, %dma_wait3A_74] : memref<2560x128xi32, #tpu.memory_space<hbm>> -> memref<40x128xi32, #tpu.memory_space<hbm>>
      tpu.wait_dma2 semaphore(%run_scoped3A : memref<!tpu.dma_semaphore, #tpu.memory_space<semaphore_mem>>) src(%dma_wait3A_75 : memref<40x128xi32, #tpu.memory_space<hbm>>) dst(%arg8 : memref<40x128xi32, #tpu.memory_space<vmem>>)
      tpu.yield
    }) : () -> ()
    %dma_start3A_48 = arith.constant 0 : i32
    %dma_start3A_49 = arith.constant 0 : i32
    %dma_start3A_50 = tpu.memref_slice %arg7[%dma_start3A_48, %dma_start3A_49] : memref<40x128xi32, #tpu.memory_space<vmem>> -> memref<1x128xi32, #tpu.memory_space<vmem>>
    %dma_start3A_51 = tpu.memref_squeeze %dma_start3A_50 : memref<1x128xi32, #tpu.memory_space<vmem>> -> memref<128xi32, #tpu.memory_space<vmem>>
    %dma_start3A_52 = arith.constant 0 : i32
    %dma_start3A_53 = arith.constant 0 : i32
    %dma_start3A_54 = tpu.memref_slice %arg4[%dma_start3A_52, %dma_start3A_53] : memref<10000x128xf32, #tpu.memory_space<hbm>> -> memref<10000x128xf32, #tpu.memory_space<hbm>>
    tpu.enqueue_indirect_dma source(%dma_start3A_54 : memref<10000x128xf32, #tpu.memory_space<hbm>>) target(%arg9 : memref<128x128xf32, #tpu.memory_space<vmem>>) offsets(%dma_start3A_51 : memref<128xi32, #tpu.memory_space<vmem>>) semaphore(%arg12 : memref<!tpu.dma_semaphore, #tpu.memory_space<semaphore_mem>>)
    %scan3A_55 = arith.constant 0 : i32
    %scan3A_56 = arith.constant 0 : i32
    %scan3A_57 = arith.constant 20 : i32
    %scan3A_58 = arith.addi %scan3A_56, %scan3A_57 : i32
    %scan3A_59 = arith.constant 1 : i32
    scf.for %scan3A_69 = %scan3A_56 to %scan3A_58 step %scan3A_59  : i32 {
      %mul3A_70 = arith.constant 2 : i32
      %mul3A_71 = arith.muli %mul3A_70, %scan3A_69 : i32
      %add3A_72 = arith.constant 1 : i32
      %add3A_73 = arith.addi %mul3A_71, %add3A_72 : i32
      %dma_start3A_74 = arith.constant 0 : i32
      %dma_start3A_75 = tpu.memref_slice %arg7[%add3A_73, %dma_start3A_74] : memref<40x128xi32, #tpu.memory_space<vmem>> -> memref<1x128xi32, #tpu.memory_space<vmem>>
      %dma_start3A_76 = tpu.memref_squeeze %dma_start3A_75 : memref<1x128xi32, #tpu.memory_space<vmem>> -> memref<128xi32, #tpu.memory_space<vmem>>
      %dma_start3A_77 = arith.constant 0 : i32
      %dma_start3A_78 = arith.constant 0 : i32
      %dma_start3A_79 = tpu.memref_slice %arg4[%dma_start3A_77, %dma_start3A_78] : memref<10000x128xf32, #tpu.memory_space<hbm>> -> memref<10000x128xf32, #tpu.memory_space<hbm>>
      tpu.enqueue_indirect_dma source(%dma_start3A_79 : memref<10000x128xf32, #tpu.memory_space<hbm>>) target(%arg10 : memref<128x128xf32, #tpu.memory_space<vmem>>) offsets(%dma_start3A_76 : memref<128xi32, #tpu.memory_space<vmem>>) semaphore(%arg13 : memref<!tpu.dma_semaphore, #tpu.memory_space<semaphore_mem>>)
      %mul3A_80 = arith.constant 2 : i32
      %mul3A_81 = arith.muli %mul3A_80, %scan3A_69 : i32
      %dma_wait3A = arith.constant 0 : i32
      %dma_wait3A_82 = tpu.memref_slice %arg7[%mul3A_81, %dma_wait3A] : memref<40x128xi32, #tpu.memory_space<vmem>> -> memref<1x128xi32, #tpu.memory_space<vmem>>
      %dma_wait3A_83 = tpu.memref_squeeze %dma_wait3A_82 : memref<1x128xi32, #tpu.memory_space<vmem>> -> memref<128xi32, #tpu.memory_space<vmem>>
      %dma_wait3A_84 = arith.constant 0 : i32
      %dma_wait3A_85 = arith.constant 0 : i32
      %dma_wait3A_86 = tpu.memref_slice %arg4[%dma_wait3A_84, %dma_wait3A_85] : memref<10000x128xf32, #tpu.memory_space<hbm>> -> memref<10000x128xf32, #tpu.memory_space<hbm>>
      tpu.wait_indirect_dma semaphore(%arg12 : memref<!tpu.dma_semaphore, #tpu.memory_space<semaphore_mem>>) src(%dma_wait3A_86 : memref<10000x128xf32, #tpu.memory_space<hbm>>) dst(%arg9 : memref<128x128xf32, #tpu.memory_space<vmem>>)
      %mul3A_87 = arith.constant 2 : i32
      %mul3A_88 = arith.muli %mul3A_87, %scan3A_69 : i32
      "tpu.region"() ({
        %run_scoped3A = tpu.sem_alloc : memref<!tpu.dma_semaphore, #tpu.memory_space<semaphore_mem>>
        %dma_start3A_105 = arith.constant 0 : i32
        %dma_start3A_106 = tpu.memref_slice %arg8[%mul3A_88, %dma_start3A_105] : memref<40x128xi32, #tpu.memory_space<vmem>> -> memref<1x128xi32, #tpu.memory_space<vmem>>
        %dma_start3A_107 = tpu.memref_squeeze %dma_start3A_106 : memref<1x128xi32, #tpu.memory_space<vmem>> -> memref<128xi32, #tpu.memory_space<vmem>>
        %dma_start3A_108 = arith.constant 0 : i32
        %dma_start3A_109 = arith.constant 0 : i32
        %dma_start3A_110 = tpu.memref_slice %arg11[%dma_start3A_108, %dma_start3A_109] : memref<10240x128xf32, #tpu.memory_space<vmem_shared>> -> memref<10240x128xf32, #tpu.memory_space<vmem_shared>>
        tpu.enqueue_indirect_dma source(%arg9 : memref<128x128xf32, #tpu.memory_space<vmem>>) target(%dma_start3A_110 : memref<10240x128xf32, #tpu.memory_space<vmem_shared>>) offsets(%dma_start3A_107 : memref<128xi32, #tpu.memory_space<vmem>>) semaphore(%run_scoped3A : memref<!tpu.dma_semaphore, #tpu.memory_space<semaphore_mem>>) {add = true}
        %dma_wait3A_111 = arith.constant 0 : i32
        %dma_wait3A_112 = tpu.memref_slice %arg8[%mul3A_88, %dma_wait3A_111] : memref<40x128xi32, #tpu.memory_space<vmem>> -> memref<1x128xi32, #tpu.memory_space<vmem>>
        %dma_wait3A_113 = tpu.memref_squeeze %dma_wait3A_112 : memref<1x128xi32, #tpu.memory_space<vmem>> -> memref<128xi32, #tpu.memory_space<vmem>>
        %dma_wait3A_114 = arith.constant 0 : i32
        %dma_wait3A_115 = arith.constant 0 : i32
        %dma_wait3A_116 = tpu.memref_slice %arg11[%dma_wait3A_114, %dma_wait3A_115] : memref<10240x128xf32, #tpu.memory_space<vmem_shared>> -> memref<10240x128xf32, #tpu.memory_space<vmem_shared>>
        tpu.wait_indirect_dma semaphore(%run_scoped3A : memref<!tpu.dma_semaphore, #tpu.memory_space<semaphore_mem>>) src(%arg9 : memref<128x128xf32, #tpu.memory_space<vmem>>) dst(%dma_wait3A_116 : memref<10240x128xf32, #tpu.memory_space<vmem_shared>>)
        tpu.yield
      }) : () -> ()
      %lt3A = arith.constant 19 : i32
      %lt3A_89 = arith.cmpi slt, %scan3A_69, %lt3A : i32
      %convert_element_type3A = arith.extui %lt3A_89 : i1 to i32
      %cond3A = arith.constant 0 : i32
      %cond3A_90 = arith.cmpi ne, %convert_element_type3A, %cond3A : i32
      scf.if %cond3A_90 {
        %mul3A_105 = arith.constant 2 : i32
        %mul3A_106 = arith.muli %mul3A_105, %scan3A_69 : i32
        %add3A_107 = arith.constant 2 : i32
        %add3A_108 = arith.addi %mul3A_106, %add3A_107 : i32
        %dma_start3A_109 = arith.constant 0 : i32
        %dma_start3A_110 = tpu.memref_slice %arg7[%add3A_108, %dma_start3A_109] : memref<40x128xi32, #tpu.memory_space<vmem>> -> memref<1x128xi32, #tpu.memory_space<vmem>>
        %dma_start3A_111 = tpu.memref_squeeze %dma_start3A_110 : memref<1x128xi32, #tpu.memory_space<vmem>> -> memref<128xi32, #tpu.memory_space<vmem>>
        %dma_start3A_112 = arith.constant 0 : i32
        %dma_start3A_113 = arith.constant 0 : i32
        %dma_start3A_114 = tpu.memref_slice %arg4[%dma_start3A_112, %dma_start3A_113] : memref<10000x128xf32, #tpu.memory_space<hbm>> -> memref<10000x128xf32, #tpu.memory_space<hbm>>
        tpu.enqueue_indirect_dma source(%dma_start3A_114 : memref<10000x128xf32, #tpu.memory_space<hbm>>) target(%arg9 : memref<128x128xf32, #tpu.memory_space<vmem>>) offsets(%dma_start3A_111 : memref<128xi32, #tpu.memory_space<vmem>>) semaphore(%arg12 : memref<!tpu.dma_semaphore, #tpu.memory_space<semaphore_mem>>)
      } else {
      }
      %mul3A_91 = arith.constant 2 : i32
      %mul3A_92 = arith.muli %mul3A_91, %scan3A_69 : i32
      %add3A_93 = arith.constant 1 : i32
      %add3A_94 = arith.addi %mul3A_92, %add3A_93 : i32
      %dma_wait3A_95 = arith.constant 0 : i32
      %dma_wait3A_96 = tpu.memref_slice %arg7[%add3A_94, %dma_wait3A_95] : memref<40x128xi32, #tpu.memory_space<vmem>> -> memref<1x128xi32, #tpu.memory_space<vmem>>
      %dma_wait3A_97 = tpu.memref_squeeze %dma_wait3A_96 : memref<1x128xi32, #tpu.memory_space<vmem>> -> memref<128xi32, #tpu.memory_space<vmem>>
      %dma_wait3A_98 = arith.constant 0 : i32
      %dma_wait3A_99 = arith.constant 0 : i32
      %dma_wait3A_100 = tpu.memref_slice %arg4[%dma_wait3A_98, %dma_wait3A_99] : memref<10000x128xf32, #tpu.memory_space<hbm>> -> memref<10000x128xf32, #tpu.memory_space<hbm>>
      tpu.wait_indirect_dma semaphore(%arg13 : memref<!tpu.dma_semaphore, #tpu.memory_space<semaphore_mem>>) src(%dma_wait3A_100 : memref<10000x128xf32, #tpu.memory_space<hbm>>) dst(%arg10 : memref<128x128xf32, #tpu.memory_space<vmem>>)
      %mul3A_101 = arith.constant 2 : i32
      %mul3A_102 = arith.muli %mul3A_101, %scan3A_69 : i32
      %add3A_103 = arith.constant 1 : i32
      %add3A_104 = arith.addi %mul3A_102, %add3A_103 : i32
      "tpu.region"() ({
        %run_scoped3A = tpu.sem_alloc : memref<!tpu.dma_semaphore, #tpu.memory_space<semaphore_mem>>
        %dma_start3A_105 = arith.constant 0 : i32
        %dma_start3A_106 = tpu.memref_slice %arg8[%add3A_104, %dma_start3A_105] : memref<40x128xi32, #tpu.memory_space<vmem>> -> memref<1x128xi32, #tpu.memory_space<vmem>>
        %dma_start3A_107 = tpu.memref_squeeze %dma_start3A_106 : memref<1x128xi32, #tpu.memory_space<vmem>> -> memref<128xi32, #tpu.memory_space<vmem>>
        %dma_start3A_108 = arith.constant 0 : i32
        %dma_start3A_109 = arith.constant 0 : i32
        %dma_start3A_110 = tpu.memref_slice %arg11[%dma_start3A_108, %dma_start3A_109] : memref<10240x128xf32, #tpu.memory_space<vmem_shared>> -> memref<10240x128xf32, #tpu.memory_space<vmem_shared>>
        tpu.enqueue_indirect_dma source(%arg10 : memref<128x128xf32, #tpu.memory_space<vmem>>) target(%dma_start3A_110 : memref<10240x128xf32, #tpu.memory_space<vmem_shared>>) offsets(%dma_start3A_107 : memref<128xi32, #tpu.memory_space<vmem>>) semaphore(%run_scoped3A : memref<!tpu.dma_semaphore, #tpu.memory_space<semaphore_mem>>) {add = true}
        %dma_wait3A_111 = arith.constant 0 : i32
        %dma_wait3A_112 = tpu.memref_slice %arg8[%add3A_104, %dma_wait3A_111] : memref<40x128xi32, #tpu.memory_space<vmem>> -> memref<1x128xi32, #tpu.memory_space<vmem>>
        %dma_wait3A_113 = tpu.memref_squeeze %dma_wait3A_112 : memref<1x128xi32, #tpu.memory_space<vmem>> -> memref<128xi32, #tpu.memory_space<vmem>>
        %dma_wait3A_114 = arith.constant 0 : i32
        %dma_wait3A_115 = arith.constant 0 : i32
        %dma_wait3A_116 = tpu.memref_slice %arg11[%dma_wait3A_114, %dma_wait3A_115] : memref<10240x128xf32, #tpu.memory_space<vmem_shared>> -> memref<10240x128xf32, #tpu.memory_space<vmem_shared>>
        tpu.wait_indirect_dma semaphore(%run_scoped3A : memref<!tpu.dma_semaphore, #tpu.memory_space<semaphore_mem>>) src(%arg10 : memref<128x128xf32, #tpu.memory_space<vmem>>) dst(%dma_wait3A_116 : memref<10240x128xf32, #tpu.memory_space<vmem_shared>>)
        tpu.yield
      }) : () -> ()
    }
    %scan3A_60 = arith.constant 20 : i32
    %barrier3A_61 = arith.constant 0 : index
    tpu.barrier barrier_id(%barrier3A_61)
    %mul3A_62 = arith.constant 640 : i32
    %mul3A_63 = arith.muli %arg1, %mul3A_62 : i32
    %mul3A_64 = arith.constant 10240 : i32
    %mul3A_65 = arith.muli %arg0, %mul3A_64 : i32
    %mul3A_66 = arith.constant 640 : i32
    %mul3A_67 = arith.muli %arg1, %mul3A_66 : i32
    %add3A_68 = arith.addi %mul3A_65, %mul3A_67 : i32
    "tpu.region"() ({
      %run_scoped3A = tpu.sem_alloc : memref<!tpu.dma_semaphore, #tpu.memory_space<semaphore_mem>>
      %dma_start3A_69 = arith.constant 0 : i32
      %dma_start3A_70 = tpu.memref_slice %arg6[%add3A_68, %dma_start3A_69] : memref<20480x128xf32, #tpu.memory_space<hbm>> -> memref<640x128xf32, #tpu.memory_space<hbm>>
      %dma_start3A_71 = arith.constant 0 : i32
      %dma_start3A_72 = tpu.memref_slice %arg11[%mul3A_63, %dma_start3A_71] : memref<10240x128xf32, #tpu.memory_space<vmem_shared>> -> memref<640x128xf32, #tpu.memory_space<vmem_shared>>
      tpu.enqueue_dma source(%dma_start3A_72 : memref<640x128xf32, #tpu.memory_space<vmem_shared>>) target(%dma_start3A_70 : memref<640x128xf32, #tpu.memory_space<hbm>>) target_semaphore(%run_scoped3A : memref<!tpu.dma_semaphore, #tpu.memory_space<semaphore_mem>>)
      %dma_wait3A = arith.constant 0 : i32
      %dma_wait3A_73 = tpu.memref_slice %arg6[%add3A_68, %dma_wait3A] : memref<20480x128xf32, #tpu.memory_space<hbm>> -> memref<640x128xf32, #tpu.memory_space<hbm>>
      %dma_wait3A_74 = arith.constant 0 : i32
      %dma_wait3A_75 = tpu.memref_slice %arg11[%mul3A_63, %dma_wait3A_74] : memref<10240x128xf32, #tpu.memory_space<vmem_shared>> -> memref<640x128xf32, #tpu.memory_space<vmem_shared>>
      tpu.wait_dma2 semaphore(%run_scoped3A : memref<!tpu.dma_semaphore, #tpu.memory_space<semaphore_mem>>) src(%dma_wait3A_75 : memref<640x128xf32, #tpu.memory_space<vmem_shared>>) dst(%dma_wait3A_73 : memref<640x128xf32, #tpu.memory_space<hbm>>)
      tpu.yield
    }) : () -> ()
    return
  }
}

module attributes {stable_mosaic.version = 14 : i64} {
  func.func @_scale_body(%arg0: i32, %arg1: memref<1024x128xf32, #tpu.memory_space<vmem>>, %arg2: memref<1024x128xf32, #tpu.memory_space<vmem>>, %arg3: memref<1024x128xf32, #tpu.memory_space<vmem>>, %arg4: memref<1024x128xf32, #tpu.memory_space<vmem>>) attributes {dimension_semantics = [#tpu.dimension_semantics<arbitrary>], iteration_bounds = array<i64: 10>, scalar_prefetch = 0 : i64, scratch_operands = 0 : i64, tpu.core_type = #tpu.core_type<tc>, window_params = [{transform_indices = @transform_0, window_bounds = array<i64: 1024, 128>}, {transform_indices = @transform_1, window_bounds = array<i64: 1024, 128>}, {transform_indices = @transform_2, window_bounds = array<i64: 1024, 128>}, {transform_indices = @transform_3, window_bounds = array<i64: 1024, 128>}]} {
    %get3A = arith.constant 0 : index
    %get3A_0 = arith.constant 0 : index
    %get3A_1 = vector.load %arg3[%get3A, %get3A_0] : memref<1024x128xf32, #tpu.memory_space<vmem>>, vector<1024x128xf32>
    %get3A_2 = arith.constant 0 : index
    %get3A_3 = arith.constant 0 : index
    %get3A_4 = vector.load %arg1[%get3A_2, %get3A_3] : memref<1024x128xf32, #tpu.memory_space<vmem>>, vector<1024x1xf32>
    %get3A_5 = vector.shape_cast %get3A_4 : vector<1024x1xf32> to vector<1024xf32>
    %get3A_6 = arith.constant 0 : index
    %get3A_7 = arith.constant 0 : index
    %get3A_8 = vector.load %arg2[%get3A_6, %get3A_7] : memref<1024x128xf32, #tpu.memory_space<vmem>>, vector<1024x1xf32>
    %get3A_9 = vector.shape_cast %get3A_8 : vector<1024x1xf32> to vector<1024xf32>
    %add3A = arith.addf %get3A_5, %get3A_9 : vector<1024xf32>
    %add3A_10 = arith.constant 1.000000e+00 : f32
    %add3A_11 = vector.broadcast %add3A_10 : f32 to vector<1024xf32>
    %add3A_12 = arith.addf %add3A, %add3A_11 : vector<1024xf32>
    %rsqrt3A = math.rsqrt %add3A_12 : vector<1024xf32>
    %broadcast_in_dim3A = vector.shape_cast %rsqrt3A : vector<1024xf32> to vector<1024x1xf32>
    %mul3A = vector.broadcast %broadcast_in_dim3A : vector<1024x1xf32> to vector<1024x128xf32>
    %mul3A_13 = arith.mulf %get3A_1, %mul3A : vector<1024x128xf32>
    %swap3A = arith.constant 0 : index
    %swap3A_14 = arith.constant 0 : index
    %swap3A_15 = vector.load %arg4[%swap3A, %swap3A_14] : memref<1024x128xf32, #tpu.memory_space<vmem>>, vector<1024x128xf32>
    tpu.vector_store %arg4[%swap3A, %swap3A_14], %mul3A_13 {strides = array<i32>} : memref<1024x128xf32, #tpu.memory_space<vmem>>, vector<1024x128xf32>,
    return
  }
  func.func @transform_0(%arg0: i32) -> (i32, i32) {
    %c0_i32 = arith.constant 0 : i32
    %c0_i32_0 = arith.constant 0 : i32
    return %arg0, %c0_i32 : i32, i32
  }
  func.func @transform_1(%arg0: i32) -> (i32, i32) {
    %add3A = arith.constant 10 : i32
    %add3A_0 = arith.addi %arg0, %add3A : i32
    %c0_i32 = arith.constant 0 : i32
    %c0_i32_1 = arith.constant 0 : i32
    return %add3A_0, %c0_i32 : i32, i32
  }
  func.func @transform_2(%arg0: i32) -> (i32, i32) {
    %c0_i32 = arith.constant 0 : i32
    %c0_i32_0 = arith.constant 0 : i32
    return %arg0, %c0_i32 : i32, i32
  }
  func.func @transform_3(%arg0: i32) -> (i32, i32) {
    %c0_i32 = arith.constant 0 : i32
    %c0_i32_0 = arith.constant 0 : i32
    return %arg0, %c0_i32 : i32, i32
  }
}

module attributes {stable_mosaic.version = 14 : i64} {
  func.func @_mid_body(%arg0: i32, %arg1: memref<1024x128xf32, #tpu.memory_space<vmem>>, %arg2: memref<1024x128xf32, #tpu.memory_space<vmem>>, %arg3: memref<1024x128xf32, #tpu.memory_space<vmem>>, %arg4: memref<1024x128xf32, #tpu.memory_space<vmem>>, %arg5: memref<1024x128xf32, #tpu.memory_space<vmem>>, %arg6: memref<128x256xf32, #tpu.memory_space<vmem>>, %arg7: memref<1x256xf32, #tpu.memory_space<vmem>>, %arg8: memref<256x128xf32, #tpu.memory_space<vmem>>, %arg9: memref<1024x128xf32, #tpu.memory_space<vmem>>) attributes {dimension_semantics = [#tpu.dimension_semantics<arbitrary>], iteration_bounds = array<i64: 10>, scalar_prefetch = 0 : i64, scratch_operands = 0 : i64, tpu.core_type = #tpu.core_type<tc>, window_params = [{transform_indices = @transform_0, window_bounds = array<i64: 1024, 128>}, {transform_indices = @transform_1, window_bounds = array<i64: 1024, 128>}, {transform_indices = @transform_2, window_bounds = array<i64: 1024, 128>}, {transform_indices = @transform_3, window_bounds = array<i64: 1024, 128>}, {transform_indices = @transform_4, window_bounds = array<i64: 1024, 128>}, {pipeline_mode = #tpu.pipeline_mode<synchronous>, transform_indices = @transform_5, window_bounds = array<i64: 128, 256>}, {pipeline_mode = #tpu.pipeline_mode<synchronous>, transform_indices = @transform_6, window_bounds = array<i64: 1, 256>}, {pipeline_mode = #tpu.pipeline_mode<synchronous>, transform_indices = @transform_7, window_bounds = array<i64: 256, 128>}, {transform_indices = @transform_8, window_bounds = array<i64: 1024, 128>}]} {
    %get3A = arith.constant 0 : index
    %get3A_0 = arith.constant 0 : index
    %get3A_1 = vector.load %arg1[%get3A, %get3A_0] : memref<1024x128xf32, #tpu.memory_space<vmem>>, vector<1024x1xf32>
    %get3A_2 = vector.shape_cast %get3A_1 : vector<1024x1xf32> to vector<1024xf32>
    %get3A_3 = arith.constant 0 : index
    %get3A_4 = arith.constant 0 : index
    %get3A_5 = vector.load %arg2[%get3A_3, %get3A_4] : memref<1024x128xf32, #tpu.memory_space<vmem>>, vector<1024x1xf32>
    %get3A_6 = vector.shape_cast %get3A_5 : vector<1024x1xf32> to vector<1024xf32>
    %add3A = arith.addf %get3A_2, %get3A_6 : vector<1024xf32>
    %add3A_7 = arith.constant 1.000000e+00 : f32
    %add3A_8 = vector.broadcast %add3A_7 : f32 to vector<1024xf32>
    %add3A_9 = arith.addf %add3A, %add3A_8 : vector<1024xf32>
    %rsqrt3A = math.rsqrt %add3A_9 : vector<1024xf32>
    %get3A_10 = arith.constant 0 : index
    %get3A_11 = arith.constant 0 : index
    %get3A_12 = vector.load %arg3[%get3A_10, %get3A_11] : memref<1024x128xf32, #tpu.memory_space<vmem>>, vector<1024x128xf32>
    %get3A_13 = arith.constant 0 : index
    %get3A_14 = arith.constant 0 : index
    %get3A_15 = vector.load %arg4[%get3A_13, %get3A_14] : memref<1024x128xf32, #tpu.memory_space<vmem>>, vector<1024x128xf32>
    %add3A_16 = arith.addf %get3A_12, %get3A_15 : vector<1024x128xf32>
    %get3A_17 = arith.constant 0 : index
    %get3A_18 = arith.constant 0 : index
    %get3A_19 = vector.load %arg5[%get3A_17, %get3A_18] : memref<1024x128xf32, #tpu.memory_space<vmem>>, vector<1024x128xf32>
    %add3A_20 = arith.addf %add3A_16, %get3A_19 : vector<1024x128xf32>
    %broadcast_in_dim3A = vector.shape_cast %rsqrt3A : vector<1024xf32> to vector<1024x1xf32>
    %mul3A = vector.broadcast %broadcast_in_dim3A : vector<1024x1xf32> to vector<1024x128xf32>
    %mul3A_21 = arith.mulf %add3A_20, %mul3A : vector<1024x128xf32>
    %get3A_22 = arith.constant 0 : index
    %get3A_23 = arith.constant 0 : index
    %get3A_24 = vector.load %arg6[%get3A_22, %get3A_23] : memref<128x256xf32, #tpu.memory_space<vmem>>, vector<128x256xf32>
    %dot_general3A = arith.constant dense<0.000000e+00> : vector<1024x256xf32>
    %dot_general3A_25 = tpu.matmul %mul3A_21, %get3A_24, %dot_general3A {dimension_numbers = #tpu.dot_dimension_numbers<[1], [0], [0], [1], [0, 0, 1, 1], [], []>, transpose_lhs_hint = false} : vector<1024x128xf32>, vector<128x256xf32>, vector<1024x256xf32> -> vector<1024x256xf32>
    %get3A_26 = arith.constant 0 : index
    %get3A_27 = arith.constant 0 : index
    %get3A_28 = vector.load %arg7[%get3A_26, %get3A_27] : memref<1x256xf32, #tpu.memory_space<vmem>>, vector<1x256xf32>
    %add3A_29 = vector.broadcast %get3A_28 : vector<1x256xf32> to vector<1024x256xf32>
    %add3A_30 = arith.addf %dot_general3A_25, %add3A_29 : vector<1024x256xf32>
    %max3A = arith.constant 0.000000e+00 : f32
    %max3A_31 = vector.broadcast %max3A : f32 to vector<1024x256xf32>
    %max3A_32 = arith.maximumf %add3A_30, %max3A_31 : vector<1024x256xf32>
    %get3A_33 = arith.constant 0 : index
    %get3A_34 = arith.constant 0 : index
    %get3A_35 = vector.load %arg8[%get3A_33, %get3A_34] : memref<256x128xf32, #tpu.memory_space<vmem>>, vector<256x128xf32>
    %dot_general3A_36 = arith.constant dense<0.000000e+00> : vector<1024x128xf32>
    %dot_general3A_37 = tpu.matmul %max3A_32, %get3A_35, %dot_general3A_36 {dimension_numbers = #tpu.dot_dimension_numbers<[1], [0], [0], [1], [0, 0, 1, 1], [], []>, transpose_lhs_hint = false} : vector<1024x256xf32>, vector<256x128xf32>, vector<1024x128xf32> -> vector<1024x128xf32>
    %broadcast_in_dim3A_38 = vector.shape_cast %rsqrt3A : vector<1024xf32> to vector<1024x1xf32>
    %mul3A_39 = vector.broadcast %broadcast_in_dim3A_38 : vector<1024x1xf32> to vector<1024x128xf32>
    %mul3A_40 = arith.mulf %dot_general3A_37, %mul3A_39 : vector<1024x128xf32>
    %swap3A = arith.constant 0 : index
    %swap3A_41 = arith.constant 0 : index
    %swap3A_42 = vector.load %arg9[%swap3A, %swap3A_41] : memref<1024x128xf32, #tpu.memory_space<vmem>>, vector<1024x128xf32>
    tpu.vector_store %arg9[%swap3A, %swap3A_41], %mul3A_40 {strides = array<i32>} : memref<1024x128xf32, #tpu.memory_space<vmem>>, vector<1024x128xf32>,
    return
  }
  func.func @transform_0(%arg0: i32) -> (i32, i32) {
    %c0_i32 = arith.constant 0 : i32
    %c0_i32_0 = arith.constant 0 : i32
    return %arg0, %c0_i32 : i32, i32
  }
  func.func @transform_1(%arg0: i32) -> (i32, i32) {
    %add3A = arith.constant 10 : i32
    %add3A_0 = arith.addi %arg0, %add3A : i32
    %c0_i32 = arith.constant 0 : i32
    %c0_i32_1 = arith.constant 0 : i32
    return %add3A_0, %c0_i32 : i32, i32
  }
  func.func @transform_2(%arg0: i32) -> (i32, i32) {
    %c0_i32 = arith.constant 0 : i32
    %c0_i32_0 = arith.constant 0 : i32
    return %arg0, %c0_i32 : i32, i32
  }
  func.func @transform_3(%arg0: i32) -> (i32, i32) {
    %add3A = arith.constant 10 : i32
    %add3A_0 = arith.addi %arg0, %add3A : i32
    %c0_i32 = arith.constant 0 : i32
    %c0_i32_1 = arith.constant 0 : i32
    return %add3A_0, %c0_i32 : i32, i32
  }
  func.func @transform_4(%arg0: i32) -> (i32, i32) {
    %c0_i32 = arith.constant 0 : i32
    %c0_i32_0 = arith.constant 0 : i32
    return %arg0, %c0_i32 : i32, i32
  }
  func.func @transform_5(%arg0: i32) -> (i32, i32) {
    %c0_i32 = arith.constant 0 : i32
    %c0_i32_0 = arith.constant 0 : i32
    %c0_i32_1 = arith.constant 0 : i32
    return %c0_i32, %c0_i32_0 : i32, i32
  }
  func.func @transform_6(%arg0: i32) -> (i32, i32) {
    %c0_i32 = arith.constant 0 : i32
    %c0_i32_0 = arith.constant 0 : i32
    %c0_i32_1 = arith.constant 0 : i32
    return %c0_i32, %c0_i32_0 : i32, i32
  }
  func.func @transform_7(%arg0: i32) -> (i32, i32) {
    %c0_i32 = arith.constant 0 : i32
    %c0_i32_0 = arith.constant 0 : i32
    %c0_i32_1 = arith.constant 0 : i32
    return %c0_i32, %c0_i32_0 : i32, i32
  }
  func.func @transform_8(%arg0: i32) -> (i32, i32) {
    %c0_i32 = arith.constant 0 : i32
    %c0_i32_0 = arith.constant 0 : i32
    return %arg0, %c0_i32 : i32, i32
  }
}

module attributes {stable_mosaic.version = 14 : i64} {
  func.func @_fin_body(%arg0: i32, %arg1: memref<1024x128xf32, #tpu.memory_space<vmem>>, %arg2: memref<1024x128xf32, #tpu.memory_space<vmem>>, %arg3: memref<1024x128xf32, #tpu.memory_space<vmem>>, %arg4: memref<1024x128xf32, #tpu.memory_space<vmem>>, %arg5: memref<1024x128xf32, #tpu.memory_space<vmem>>, %arg6: memref<1x128xf32, #tpu.memory_space<vmem>>, %arg7: memref<1024x128xf32, #tpu.memory_space<vmem>>) attributes {dimension_semantics = [#tpu.dimension_semantics<arbitrary>], iteration_bounds = array<i64: 10>, scalar_prefetch = 0 : i64, scratch_operands = 0 : i64, tpu.core_type = #tpu.core_type<tc>, window_params = [{transform_indices = @transform_0, window_bounds = array<i64: 1024, 128>}, {transform_indices = @transform_1, window_bounds = array<i64: 1024, 128>}, {transform_indices = @transform_2, window_bounds = array<i64: 1024, 128>}, {transform_indices = @transform_3, window_bounds = array<i64: 1024, 128>}, {transform_indices = @transform_4, window_bounds = array<i64: 1024, 128>}, {pipeline_mode = #tpu.pipeline_mode<synchronous>, transform_indices = @transform_5, window_bounds = array<i64: 1, 128>}, {transform_indices = @transform_6, window_bounds = array<i64: 1024, 128>}]} {
    %get3A = arith.constant 0 : index
    %get3A_0 = arith.constant 0 : index
    %get3A_1 = vector.load %arg1[%get3A, %get3A_0] : memref<1024x128xf32, #tpu.memory_space<vmem>>, vector<1024x1xf32>
    %get3A_2 = vector.shape_cast %get3A_1 : vector<1024x1xf32> to vector<1024xf32>
    %get3A_3 = arith.constant 0 : index
    %get3A_4 = arith.constant 0 : index
    %get3A_5 = vector.load %arg2[%get3A_3, %get3A_4] : memref<1024x128xf32, #tpu.memory_space<vmem>>, vector<1024x1xf32>
    %get3A_6 = vector.shape_cast %get3A_5 : vector<1024x1xf32> to vector<1024xf32>
    %add3A = arith.addf %get3A_2, %get3A_6 : vector<1024xf32>
    %add3A_7 = arith.constant 1.000000e+00 : f32
    %add3A_8 = vector.broadcast %add3A_7 : f32 to vector<1024xf32>
    %add3A_9 = arith.addf %add3A, %add3A_8 : vector<1024xf32>
    %rsqrt3A = math.rsqrt %add3A_9 : vector<1024xf32>
    %get3A_10 = arith.constant 0 : index
    %get3A_11 = arith.constant 0 : index
    %get3A_12 = vector.load %arg3[%get3A_10, %get3A_11] : memref<1024x128xf32, #tpu.memory_space<vmem>>, vector<1024x128xf32>
    %get3A_13 = arith.constant 0 : index
    %get3A_14 = arith.constant 0 : index
    %get3A_15 = vector.load %arg4[%get3A_13, %get3A_14] : memref<1024x128xf32, #tpu.memory_space<vmem>>, vector<1024x128xf32>
    %add3A_16 = arith.addf %get3A_12, %get3A_15 : vector<1024x128xf32>
    %get3A_17 = arith.constant 0 : index
    %get3A_18 = arith.constant 0 : index
    %get3A_19 = vector.load %arg5[%get3A_17, %get3A_18] : memref<1024x128xf32, #tpu.memory_space<vmem>>, vector<1024x128xf32>
    %add3A_20 = arith.addf %add3A_16, %get3A_19 : vector<1024x128xf32>
    %broadcast_in_dim3A = vector.shape_cast %rsqrt3A : vector<1024xf32> to vector<1024x1xf32>
    %mul3A = vector.broadcast %broadcast_in_dim3A : vector<1024x1xf32> to vector<1024x128xf32>
    %mul3A_21 = arith.mulf %add3A_20, %mul3A : vector<1024x128xf32>
    %get3A_22 = arith.constant 0 : index
    %get3A_23 = arith.constant 0 : index
    %get3A_24 = vector.load %arg6[%get3A_22, %get3A_23] : memref<1x128xf32, #tpu.memory_space<vmem>>, vector<1x128xf32>
    %add3A_25 = vector.broadcast %get3A_24 : vector<1x128xf32> to vector<1024x128xf32>
    %add3A_26 = arith.addf %mul3A_21, %add3A_25 : vector<1024x128xf32>
    %max3A = arith.constant 0.000000e+00 : f32
    %max3A_27 = vector.broadcast %max3A : f32 to vector<1024x128xf32>
    %max3A_28 = arith.maximumf %add3A_26, %max3A_27 : vector<1024x128xf32>
    %swap3A = arith.constant 0 : index
    %swap3A_29 = arith.constant 0 : index
    %swap3A_30 = vector.load %arg7[%swap3A, %swap3A_29] : memref<1024x128xf32, #tpu.memory_space<vmem>>, vector<1024x128xf32>
    tpu.vector_store %arg7[%swap3A, %swap3A_29], %max3A_28 {strides = array<i32>} : memref<1024x128xf32, #tpu.memory_space<vmem>>, vector<1024x128xf32>,
    return
  }
  func.func @transform_0(%arg0: i32) -> (i32, i32) {
    %c0_i32 = arith.constant 0 : i32
    %c0_i32_0 = arith.constant 0 : i32
    return %arg0, %c0_i32 : i32, i32
  }
  func.func @transform_1(%arg0: i32) -> (i32, i32) {
    %add3A = arith.constant 10 : i32
    %add3A_0 = arith.addi %arg0, %add3A : i32
    %c0_i32 = arith.constant 0 : i32
    %c0_i32_1 = arith.constant 0 : i32
    return %add3A_0, %c0_i32 : i32, i32
  }
  func.func @transform_2(%arg0: i32) -> (i32, i32) {
    %c0_i32 = arith.constant 0 : i32
    %c0_i32_0 = arith.constant 0 : i32
    return %arg0, %c0_i32 : i32, i32
  }
  func.func @transform_3(%arg0: i32) -> (i32, i32) {
    %add3A = arith.constant 10 : i32
    %add3A_0 = arith.addi %arg0, %add3A : i32
    %c0_i32 = arith.constant 0 : i32
    %c0_i32_1 = arith.constant 0 : i32
    return %add3A_0, %c0_i32 : i32, i32
  }
  func.func @transform_4(%arg0: i32) -> (i32, i32) {
    %c0_i32 = arith.constant 0 : i32
    %c0_i32_0 = arith.constant 0 : i32
    return %arg0, %c0_i32 : i32, i32
  }
  func.func @transform_5(%arg0: i32) -> (i32, i32) {
    %c0_i32 = arith.constant 0 : i32
    %c0_i32_0 = arith.constant 0 : i32
    %c0_i32_1 = arith.constant 0 : i32
    return %c0_i32, %c0_i32_0 : i32, i32
  }
  func.func @transform_6(%arg0: i32) -> (i32, i32) {
    %c0_i32 = arith.constant 0 : i32
    %c0_i32_0 = arith.constant 0 : i32
    return %arg0, %c0_i32 : i32, i32
  }
}

</mosaic_0001>

<sc_bundles>
// kernel: kernel.11.cloned.1.call-start
scs
__scs_entry_jumppad:
0x0: {  	(pc) =	sbr.rel $0x88, $3  }
0x1: {  	(tag) =	ssettag $0x0;
	lr =	simm.s32 $0x1  }
0x2: {  	[smem:$0x3F9B] =	sst lr;
	_ =	strace $0xD0000000  }
0x3: {  	_ = 	snop  }
0x4: {  	_ = 	snop  }
0x5: {  	_ = 	snop  }
0x6: {  	_ = 	snop  }
0x7: {  	_ = 	snop  }
__scs_overlays_trampoline_lowered:
0x8: {  	[smem:$0x3FAA] =	sst s0  }
0x9: {  	[smem:$0x3FAB] =	sst s1  }
0xa: {  	[smem:$0x3FAC] =	sst s2  }
0xb: {  	[smem:$0x3FAD] =	sst s3  }
0xc: {  	[smem:$0x3FAE] =	sst s4  }
0xd: {  	[smem:$0x3FAF] =	sst s5  }
0xe: {  	[smem:$0x3FB0] =	sst s6  }
0xf: {  	[smem:$0x3FB1] =	sst s7  }
0x10: {  	[smem:$0x3FB2] =	sst s8  }
0x11: {  	[smem:$0x3FB3] =	sst s9;
	s0 =	simm.s32 @!p0 $0x0  }
0x12: {  	s1 =	sld [smem:$0x3F99];
	s0 =	simm.s32 @p0 $0x1  }
0x13: {  	[smem:$0x3FB4] =	sst s0;
	s0 =	simm.s32 @!p1 $0x0  }
0x14: {  	s2 =	sld [smem:$0x3F98];
	s0 =	simm.s32 @p1 $0x1  }
0x15: {  	[smem:$0x3FB5] =	sst s0;
	s0 =	simm.s32 @!p2 $0x0  }
0x16: {  	s3 =	sld [smem:$0x3FDB];
	s0 =	simm.s32 @p2 $0x1  }
0x17: {  	s4 =	simm.s32 $0x1BF5;
	[smem:$0x3FB7] =	sst s0  }
0x18: {  	s0 =	sld [smem:$0x3F9A];
	_ =	swait.ge [sflag:s4], $0x0  }
0x19: {  	s7 =	sld [smem:$0x3F9B]  }
0x1a: {  	s8 =	sadd.s32 $0xFFFFE003, lr  }
0x1b: {  	s9 =	sadd.s32 $0xFFFFFEF7, lr;
	s5 =	simm.s32 $0xFFFFFFFF;
	p2 =	slt.u32 s8, $0xFFFFF086  }
0x1c: {  	p1 =	slt.u32 s9, $0xF7A;
	s5 =	simm.s32 @!p2 $0x0  }
0x1d: {  	s5 =	simm.s32 @p1 $0x1;
	p0 =	seq.s32 s7, s2  }
0x1e: {  	s7 =	smul.u32 @!p0 $0xF7A, s2;
	p2 =	seq.s32 @!p0 s5, $0x0  }
0x1f: {  	s9 =	smul.u32 $0xF7A, s1;
	s8 =	simm.s32 @!p0 $0x1BF5;
	p2 =	por !p2, p0  }
0x20: {  	[sflag:s8] =	ssyncset.s32 @!p0 $0xFFFFF086;
	s6 =	sadd.s32 @!p0 s3, s7;
	s7 =	simm.s32 @!p0 $0x108  }
0x21: {  	s3 =	sadd.s32 s3, s9;
	s6 =	sadd.s32 @!p0 $0x88, s6;
	s7 =	simm.s32 @p2 $0x1082  }
0x22: {  	[simem:s7], [sflag:s8] =	dma.local @!p0 [hbm:s6], $0xF7A  }
0x23: {  	s9 =	sor.u32 $0xD0000000, s2;
	s6 =	simm.s32 $0x108;
	_ =	swait.ge @!p0 [sflag:s8], $0x0  }
0x24: {  	s3 =	sadd.s32 $0x88, s3;
	s6 =	simm.s32 @!p1 $0x1082;
	[sflag:s4] =	ssyncset.s32 $0xFFFFF086  }
0x25: {  	[simem:s6], [sflag:s4] =	dma.local [hbm:s3], $0xF7A  }
0x26: {  	[smem:$0x3F9B] =	sst s1;
	(tag) =	ssettag s2;
	_ =	strace s9  }
0x27: {  	s1 =	sld [smem:$0x3FAB]  }
0x28: {  	s2 =	sld [smem:$0x3FAC]  }
0x29: {  	s4 =	sld [smem:$0x3FAE]  }
0x2a: {  	p0 =	seq.s32 s5, $0x0;
	s5 =	sld [smem:$0x3FAF]  }
0x2b: {  	s6 =	sld [smem:$0x3FB0]  }
0x2c: {  	s7 =	sld [smem:$0x3FB1]  }
0x2d: {  	s3 =	simm.s32 $0x108;
	s8 =	sld [smem:$0x3FB2]  }
0x2e: {  	s3 =	simm.s32 @!p0 $0x1082;
	s9 =	sld [smem:$0x3FB3]  }
0x2f: {  	lr =	sadd.s32 s0, s3;
	s0 =	sld [smem:$0x3FAA]  }
0x30: {  	s3 =	sld [smem:$0x3FAD]  }
0x31: {  	[smem:$0x3FB6] =	sst s10  }
0x32: {  	s10 =	sld [smem:$0x3FB4];
	_ =	sdelay $0x3  }
0x33: {  	p0 =	seq.s32 s10, $0x1;
	s10 =	sld [smem:$0x3FB6];
	_ =	sdelay $0x3  }
0x34: {  	[smem:$0x3FB6] =	sst s10  }
0x35: {  	s10 =	sld [smem:$0x3FB5];
	_ =	sdelay $0x3  }
0x36: {  	p1 =	seq.s32 s10, $0x1;
	s10 =	sld [smem:$0x3FB6];
	_ =	sdelay $0x3  }
0x37: {  	[smem:$0x3FB6] =	sst s10  }
0x38: {  	s10 =	sld [smem:$0x3FB7]  }
0x39: {  	_ = 	snop;
	(pc) =	sbr.ind lr, $3  }
0x3a: {  	_ = 	snop  }
0x3b: {  	_ = 	snop  }
0x3c: {  	p2 =	seq.s32 s10, $0x1;
	s10 =	sld [smem:$0x3FB6]  }
0x3d: {  	_ =	shalt  }
0x3e: {  	_ =	shalt  }
0x3f: {  	_ =	shalt  }
0x40: {  	_ =	shalt  }
0x41: {  	_ =	shalt  }
0x42: {  	_ =	shalt  }
0x43: {  	_ =	shalt  }
0x44: {  	_ =	shalt  }
0x45: {  	_ =	shalt  }
0x46: {  	_ =	shalt  }
0x47: {  	_ =	shalt  }
0x48: {  	_ =	shalt  }
0x49: {  	_ =	shalt  }
0x4a: {  	_ =	shalt  }
0x4b: {  	_ =	shalt  }
0x4c: {  	_ =	shalt  }
0x4d: {  	_ =	shalt  }
0x4e: {  	_ =	shalt  }
0x4f: {  	_ =	shalt  }
0x50: {  	_ =	shalt  }
0x51: {  	_ =	shalt  }
0x52: {  	_ =	shalt  }
0x53: {  	_ =	shalt  }
0x54: {  	_ =	shalt  }
0x55: {  	_ =	shalt  }
0x56: {  	_ =	shalt  }
0x57: {  	_ =	shalt  }
0x58: {  	_ =	shalt  }
0x59: {  	_ =	shalt  }
0x5a: {  	_ =	shalt  }
0x5b: {  	_ =	shalt  }
0x5c: {  	_ =	shalt  }
0x5d: {  	_ =	shalt  }
0x5e: {  	_ =	shalt  }
0x5f: {  	_ =	shalt  }
0x60: {  	_ =	shalt  }
0x61: {  	_ =	shalt  }
0x62: {  	_ =	shalt  }
0x63: {  	_ =	shalt  }
0x64: {  	_ =	shalt  }
0x65: {  	_ =	shalt  }
0x66: {  	_ =	shalt  }
0x67: {  	_ =	shalt  }
0x68: {  	_ =	shalt  }
0x69: {  	_ =	shalt  }
0x6a: {  	_ =	shalt  }
0x6b: {  	_ =	shalt  }
0x6c: {  	_ =	shalt  }
0x6d: {  	_ =	shalt  }
0x6e: {  	_ =	shalt  }
0x6f: {  	_ =	shalt  }
0x70: {  	_ =	shalt  }
0x71: {  	_ =	shalt  }
0x72: {  	_ =	shalt  }
0x73: {  	_ =	shalt  }
0x74: {  	_ =	shalt  }
0x75: {  	_ =	shalt  }
0x76: {  	_ =	shalt  }
0x77: {  	_ =	shalt  }
0x78: {  	_ =	shalt  }
0x79: {  	_ =	shalt  }
0x7a: {  	_ =	shalt  }
0x7b: {  	_ =	shalt  }
0x7c: {  	_ =	shalt  }
0x7d: {  	_ =	shalt  }
0x7e: {  	_ =	shalt  }
0x7f: {  	_ =	shalt  }
0x80: {  	_ =	shalt  }
0x81: {  	_ =	shalt  }
0x82: {  	_ =	shalt  }
0x83: {  	_ =	shalt  }
0x84: {  	_ =	shalt  }
0x85: {  	_ =	shalt  }
0x86: {  	_ =	shalt  }
0x87: {  	_ =	shalt  }
.Lfunc_end0:
.L_simem_size_0:
called_computation.1_lowered:
.L_overlay_start_0:
0x88: {  	s2 =	sld [smem:$0x3FD9]  }
0x89: {  	s3 =	sld [smem:$0x3FFE];
	_ =	sdelay $0x1  }
0x8a: {  	s1 =	srdreg.scid  }
0x8b: {  	s0 =	sand.u32 $0x1, s1  }
0x8c: {  	s17 =	sshll.u32 s0, $0xA;
	s2 =	sadd.s32 s3, s2  }
0x8d: {  	s2 =	sadd.s32 s2, s17  }
0x8e: {  	[smem:$0x3FC2] =	sst s2  }
0x8f: {  	_ = 	snop  }
0x90: {  	s2 =	sld [smem:$0x3FD0];
	(tm) =	ssettm $0x1  }
0x91: {  	s18 =	sld [smem:$0x3FFB];
	_ =	sdelay $0x3  }
0x92: {  	_ =	strace s18  }
0x93: {  	s3 =	sld [smem:$0x3FFC];
	_ =	sdelay $0x3  }
0x94: {  	_ =	strace s3  }
0x95: {  	s3 =	sld [smem:$0x3FFD];
	_ =	sdelay $0x3  }
0x96: {  	_ =	strace s3  }
0x97: {  	_ =	strace $0x8FFFFFFF  }
0x98: {  	s19 =	sld [smem:$0x3FDB];
	_ =	sdelay $0x1  }
0x99: {  	s4 =	simm.s32 $_scs_section_size  }
0x9a: {  	s5 =	simm.s32 $_size__tile_overlayer_lowered;
	s6 =	simm.s32 $_tile_overlayer_lowered  }
0x9b: {  	s22 =	simm.s32 $0x1BFF;
	s21 =	sshll.u32 s6, $0x1;
	s3 =	sadd.s32 s4, s19  }
0x9c: {  	s7 =	simm.s32 $0x0;
	s20 =	sshll.u32 s5, $0x1;
	s5 =	sadd.s32 s21, s3  }
0x9d: {  	[timem:s7], [sflag:s22] =	dma.local [hbm:s5], s20  }
0x9e: {  	_ =	swait.ge [sflag:s22], s20  }
0x9f: {  	s4 =	ssub.s32 $0x0, s20;
	[sflag:s22] =	ssyncset.done $0x0  }
0xa0: {  	[sflag:s22] =	ssyncadd.s32 s4;
	_ =	sdelay $0x1  }
0xa1: {  	s23 =	simm.s32 $0x1B8B  }
0xa2: {  	_ =	swait.ge [sflag:s23], $0x1  }
0xa3: {  	[sflag:s23] =	ssyncset.done $0x0  }
0xa4: {  	s25 =	simm.s32 $0x1B8E;
	s24 =	sld [smem:$0x3FFE];
	[sflag:s23] =	ssyncadd.s32 $0xFFFFFFFF  }
0xa5: {  	s26 =	simm.s32 $execute0_lowered;
	[smem:$0x3FD2] =	sst s25  }
0xa6: {  	s5 =	sshll.u32 s26, $0x1;
	_ =	strace $0x80000049;
	[dreg:$0x1] =	wrdreg $0xFFFFFFFF  }
0xa7: {  	s28 =	simm.s32 $_size_execute0_lowered;
	s3 =	sadd.s32 s3, s5;
	[dreg:$0x0] =	wrdreg $0x0  }
0xa8: {  	s5 =	sshll.u32 s28, $0x1;
	[dreg:$0x2] =	wrdreg s3  }
0xa9: {  	[dreg:$0x3] =	wrdreg s5  }
0xaa: {  	[dreg:$0x4] =	wrdreg $0xC0  }
0xab: {  	_ =	task [dreg:s7], $0x5FFFF  }
0xac: {  	[dreg:$0x1] =	wrdreg $0xFFFFFFFF  }
0xad: {  	[dreg:$0x0] =	wrdreg $0x60  }
0xae: {  	[dreg:$0x2] =	wrdreg s24  }
0xaf: {  	[dreg:$0x3] =	wrdreg s2  }
0xb0: {  	[dreg:$0x4] =	wrdreg $0xA8000  }
0xb1: {  	[dreg:$0x5] =	wrdreg $0x9  }
0xb2: {  	_ =	task.clear_ibuf [dreg:s7], $0x6FFFF;
	_ =	strace $0x90000049  }
0xb3: {  	s29 =	simm.s32 $0x9;
	_ =	strace $0x8000004B  }
0xb4: {  	_ =	swait.ge [sflag:s29], $0x1  }
0xb5: {  	[sflag:s29] =	ssyncadd.s32 $0xFFFFFFFF  }
0xb6: {  	_ =	strace $0x9000004B  }
0xb7: {  	_ =	sfence  }
0xb8: {  	s30 =	sld [smem:$0x0];
	_ =	sdelay $0x2  }
0xb9: {  	s31 =	sshll.u32 s1, $0xD;
	s1 =	sshrl.u32 s1, $0x2  }
0xba: {  	s3 =	sand.u32 $0x4000, s31;
	s1 =	sadd.s32 s1, s30  }
0xbb: {  	s0 =	sor.u32 s3, s0;
	s1 =	sshll.u32 s1, $0x11  }
0xbc: {  	s0 =	sor.u32 s1, s0  }
0xbd: {  	s0 =	sadd.s32 $0x8F2B, s0  }
0xbe: {  	[sflag:s0] =	ssyncadd.remote.s32 $0x1  }
0xbf: {  	_ =	sfence.sel $0xFFFF  }
0xc0: {  	[dreg:$0x0] =	wrdreg $0xFFFFFFFF;
	(pc) =	sbr.abs _section_cstart, $3  }
0xc1: {  	[dreg:$0x1] =	wrdreg $0xFFFFFFFF  }
0xc2: {  	_ =	task.clear_ibuf [dreg:s7], $0x2FFFF;
	_ =	strace $0x9FFFFFFF  }
0xc3: {  	(tm) =	ssettm $0x7FFFFFFF  }
tec
execute0_lowered:
.L_overlay_start_1:
0x0: {  	(tag) =	ssettag $0x1  }
0x1: {  	s6 =	rddreg [dreg:$0x0]  }
0x2: {  	s1 =	rddreg [dreg:$0x1]  }
0x3: {  	s3 =	rddreg [dreg:$0x2]  }
0x4: {  	s4 =	simm.s32 $0x0;
	s5 =	srdreg.scid;
	s0 =	stileid.u32  }
0x5: {  	s20 =	simm.s32 $0x80;
	s28 =	simm.s32 $0x2780;
	s29 =	simm.s32 $0x0  }
0x6: {  	[smem:$0x7FF] =	sst s4;
	s7 =	sand.u32 $0x1, s5;
	s8 =	smul.u32 $0x2800, s0  }
0x7: {  	s10 =	sadd.s32 $0xC600, s6;
	s11 =	sadd.s32 $0x2600, s6;
	s5 =	sadd.s32 $0x16600, s6  }
0x8: {  	s12 =	smul.u32 $0x50000, s0;
	s24 =	sshll.u32 s0, $0x6;
	_ =	strace $0x8000004A  }
0x9: {  	s9 =	smul.u32 $0x28000, s7;
	s21 =	ssub.s32 $0x2, s7;
	s7 =	sshll.u32 s7, $0x4  }
0xa: {  	s22 =	sshrl.u32 s21, $0x1;
	s7 =	sor.u32 s0, s7;
	s23 =	sshrl.u32 s12, $0x2  }
0xb: {  	s8 =	sadd.s32 s8, s9;
	s14 =	ssub.s32 s21, s22;
	s25 =	smul.u32 $0x2800, s7  }
0xc: {  	s15 =	sadd.s32 s23, s3;
	s26 =	smul.u32 $0x500, s7;
	s21 =	simm.s32 $0x2800  }
0xd: {  	s22 =	simm.s32 $0x6800;
	s23 =	simm.s32 $0x1;
	s13 =	sadd.s32 s8, s6  }
0xe: {  	s6 =	sor.u32 $0x1C03, s24;
	s16 =	sadd.s32 $0x4000, s15;
	s17 =	sadd.s32 $0x8000, s15  }
0xf: {  	s18 =	sadd.s32 $0xC000, s15;
	s19 =	sadd.s32 $0x10000, s15;
	s12 =	smax.u32 s14, $0x1  }
0x10: {  	s14 =	simm.s32 $0x3;
	s24 =	simm.s32 $0x2;
	s30 =	sadd.s32 s10, s26  }
0x11: {  	s8 =	sshrl.u32 s25, $0x3;
	s25 =	simm.s32 $0x1380;
	[dreg:$0x4] =	wrdreg s30  }
0x12: {  	s31 =	sadd.s32 $0x280, s8;
	s8 =	sadd.s32 s11, s26;
	s26 =	simm.s32 $0x2700  }
0x13: {  	s9 =	sadd.s32 s10, s31;
	s10 =	sadd.s32 s11, s31;
	s11 =	sadd.s32 $0x16E00, s13  }
0x14: {  	s13 =	sshrl.u32 s15, $0x3;
	s15 =	sshrl.u32 s16, $0x3;
	s16 =	sshrl.u32 s17, $0x3  }
0x15: {  	s17 =	sshrl.u32 s18, $0x3;
	s18 =	sshrl.u32 s19, $0x3;
	s19 =	simm.s32 $0x1400  }
.LBB2_1:
0x16: {  	[spmem:s13], [sflag:s6] =	dma.local [hbm:s5], $0x800  }
0x17: {  	_ =	swait.ge [sflag:s14], $0x800  }
0x18: {  	[sflag:s14] =	ssyncset.done $0x0  }
0x19: {  	[sflag:s14] =	ssyncadd.s32 $0xFFFFF800  }
0x1a: {  	[spmem:s15], [sflag:s6] =	dma.local [hbm:s5], $0x800  }
0x1b: {  	_ =	swait.ge [sflag:s14], $0x800  }
0x1c: {  	[sflag:s14] =	ssyncset.done $0x0  }
0x1d: {  	[sflag:s14] =	ssyncadd.s32 $0xFFFFF800  }
0x1e: {  	[spmem:s16], [sflag:s6] =	dma.local [hbm:s5], $0x800  }
0x1f: {  	_ =	swait.ge [sflag:s14], $0x800  }
0x20: {  	[sflag:s14] =	ssyncset.done $0x0  }
0x21: {  	[sflag:s14] =	ssyncadd.s32 $0xFFFFF800  }
0x22: {  	[spmem:s17], [sflag:s6] =	dma.local [hbm:s5], $0x800  }
0x23: {  	_ =	swait.ge [sflag:s14], $0x800  }
0x24: {  	[sflag:s14] =	ssyncset.done $0x0  }
0x25: {  	[sflag:s14] =	ssyncadd.s32 $0xFFFFF800  }
0x26: {  	[spmem:s18], [sflag:s6] =	dma.local [hbm:s5], $0x800  }
0x27: {  	_ =	swait.ge [sflag:s14], $0x800  }
0x28: {  	[sflag:s14] =	ssyncset.done $0x0  }
0x29: {  	[sflag:s14] =	ssyncadd.s32 $0xFFFFF800  }
0x2a: {  	[bflag:$0x0] =	sbarrier.arrive $0xFFFF  }
0x2b: {  	s0 =	rddreg [dreg:$0x4]  }
0x2c: {  	[tilespmem:s4], [sflag:$0x3] =	stream.linear.gather [hbm4b:s0+s4], $0x1400, $0x38;
	[tilespmem:$0x1E800] =	vst v63  }
0x2d: {  	_ =	swait.ge [sflag:s14], $0x1400  }
0x2e: {  	[sflag:s14] =	ssyncset.done $0x0  }
0x2f: {  	[sflag:s14] =	ssyncadd.s32 $0xFFFFEC00  }
0x30: {  	[tilespmem:s19], [sflag:$0x3] =	stream.linear.gather [hbm4b:s8+s4], $0x1400, $0x38;
	[tilespmem:$0x1E800] =	vst v63  }
0x31: {  	_ =	swait.ge [sflag:s14], $0x1400  }
0x32: {  	[sflag:s14] =	ssyncset.done $0x0  }
0x33: {  	[sflag:s14] =	ssyncadd.s32 $0xFFFFEC00  }
0x34: {  	[tilespmem:s21], [sflag:$0x1] =	stream.indirect.gather [hbm4b:s1+s20], $0x80, s4, s20, $0xb8;
	[tilespmem:$0x1E800] =	vst v63  }
0x35: {  	s30 =	simm.s32 $0x80  }
0x36: {  	[tilespmem:s22], [sflag:$0x2] =	stream.indirect.gather [hbm4b:s1+s20], $0x80, s30, s20, $0xb8;
	[tilespmem:$0x1E800] =	vst v63  }
0x37: {  	_ =	swait.ge [sflag:s23], $0x4000  }
0x38: {  	[sflag:s23] =	ssyncset.done $0x0  }
0x39: {  	s30 =	simm.s32 $0x1400;
	[sflag:s23] =	ssyncadd.s32 $0xFFFFC000  }
0x3a: {  	[spmem:s3] =	stream.indirect.scatter.add.f32 [tilespmem:s21], [sflag:$0x3], $0x80, s30, s20, $0xb8;
	[tilespmem:$0x1E800] =	vst v63  }
0x3b: {  	_ =	swait.ge [sflag:s14], $0x4000  }
0x3c: {  	[sflag:s14] =	ssyncset.done $0x0  }
0x3d: {  	s30 =	simm.s32 $0x100;
	[sflag:s14] =	ssyncadd.s32 $0xFFFFC000  }
0x3e: {  	[tilespmem:s21], [sflag:$0x1] =	stream.indirect.gather [hbm4b:s1+s20], $0x80, s30, s20, $0xb8;
	[tilespmem:$0x1E800] =	vst v63  }
0x3f: {  	_ =	swait.ge [sflag:s24], $0x4000  }
0x40: {  	[sflag:s24] =	ssyncset.done $0x0  }
0x41: {  	s30 =	simm.s32 $0x1480;
	[sflag:s24] =	ssyncadd.s32 $0xFFFFC000  }
0x42: {  	[spmem:s3] =	stream.indirect.scatter.add.f32 [tilespmem:s22], [sflag:$0x3], $0x80, s30, s20, $0xb8;
	[tilespmem:$0x1E800] =	vst v63  }
0x43: {  	_ =	swait.ge [sflag:s14], $0x4000  }
0x44: {  	s31 =	simm.s32 $0x800;
	s30 =	simm.s32 $0x100;
	[sflag:s14] =	ssyncset.done $0x0  }
.LBB2_2:
0x45: {  	s0 =	sadd.s32 $0x80, s30  }
0x46: {  	[sflag:s14] =	ssyncadd.s32 $0xFFFFC000;
	s2 =	smov.u32 s31;
	s7 =	sadd.s32 $0x400, s31  }
0x47: {  	[tilespmem:s22], [sflag:$0x2] =	stream.indirect.gather [hbm4b:s1+s20], $0x80, s0, s20, $0xb8;
	[tilespmem:$0x1E800] =	vst v63  }
0x48: {  	p0 =	sne.s32 s31, $0x4800;
	_ =	swait.ge [sflag:s23], $0x4000  }
0x49: {  	[sflag:s23] =	ssyncset.done $0x0  }
0x4a: {  	s0 =	sadd.s32 $0x1400, s30;
	[sflag:s23] =	ssyncadd.s32 $0xFFFFC000  }
0x4b: {  	[spmem:s3] =	stream.indirect.scatter.add.f32 [tilespmem:s21], [sflag:$0x3], $0x80, s0, s20, $0xb8;
	[tilespmem:$0x1E800] =	vst v63  }
0x4c: {  	_ =	swait.ge [sflag:s14], $0x4000  }
0x4d: {  	[sflag:s14] =	ssyncset.done $0x0  }
0x4e: {  	s0 =	sadd.s32 $0x100, s30;
	[sflag:s14] =	ssyncadd.s32 $0xFFFFC000  }
0x4f: {  	[tilespmem:s21], [sflag:$0x1] =	stream.indirect.gather [hbm4b:s1+s20], $0x80, s0, s20, $0xb8;
	[tilespmem:$0x1E800] =	vst v63  }
0x50: {  	_ =	swait.ge [sflag:s24], $0x4000  }
.Ltmp0:
0x51: {  	[sflag:s24] =	ssyncset.done $0x0;
	(pc) =	sbr.rel @p0 .LBB2_2-.Ltmp0, $4  }
0x52: {  	s0 =	sadd.s32 $0x1480, s30;
	[sflag:s24] =	ssyncadd.s32 $0xFFFFC000  }
0x53: {  	[spmem:s3] =	stream.indirect.scatter.add.f32 [tilespmem:s22], [sflag:$0x3], $0x80, s0, s20, $0xb8;
	[tilespmem:$0x1E800] =	vst v63  }
0x54: {  	_ =	swait.ge [sflag:s14], $0x4000  }
0x55: {  	s31 =	smov.u32 s7;
	s30 =	sshra.s32 s2, $0x2;
	[sflag:s14] =	ssyncset.done $0x0  }
0x56: {  	s0 =	sadd.s32 $0x80, s30;
	[sflag:s14] =	ssyncadd.s32 $0xFFFFC000  }
0x57: {  	[tilespmem:s22], [sflag:$0x2] =	stream.indirect.gather [hbm4b:s1+s20], $0x80, s0, s20, $0xb8;
	[tilespmem:$0x1E800] =	vst v63  }
0x58: {  	_ =	swait.ge [sflag:s23], $0x4000  }
0x59: {  	[sflag:s23] =	ssyncset.done $0x0  }
0x5a: {  	s2 =	sadd.s32 $0x1400, s30;
	[sflag:s23] =	ssyncadd.s32 $0xFFFFC000  }
0x5b: {  	[spmem:s3] =	stream.indirect.scatter.add.f32 [tilespmem:s21], [sflag:$0x3], $0x80, s2, s20, $0xb8;
	[tilespmem:$0x1E800] =	vst v63  }
0x5c: {  	_ =	swait.ge [sflag:s14], $0x4000  }
0x5d: {  	[sflag:s14] =	ssyncset.done $0x0  }
0x5e: {  	s7 =	sadd.s32 $0x100, s30;
	[sflag:s14] =	ssyncadd.s32 $0xFFFFC000  }
0x5f: {  	[tilespmem:s21], [sflag:$0x1] =	stream.indirect.gather [hbm4b:s1+s20], $0x80, s7, s20, $0xb8;
	[tilespmem:$0x1E800] =	vst v63  }
0x60: {  	_ =	swait.ge [sflag:s24], $0x4000  }
0x61: {  	[sflag:s24] =	ssyncset.done $0x0  }
0x62: {  	s2 =	sadd.s32 $0x1480, s30;
	[sflag:s24] =	ssyncadd.s32 $0xFFFFC000  }
0x63: {  	[spmem:s3] =	stream.indirect.scatter.add.f32 [tilespmem:s22], [sflag:$0x3], $0x80, s2, s20, $0xb8;
	[tilespmem:$0x1E800] =	vst v63  }
0x64: {  	_ =	swait.ge [sflag:s14], $0x4000  }
0x65: {  	[sflag:s14] =	ssyncset.done $0x0  }
0x66: {  	[sflag:s14] =	ssyncadd.s32 $0xFFFFC000  }
0x67: {  	[tilespmem:s22], [sflag:$0x2] =	stream.indirect.gather [hbm4b:s1+s20], $0x80, s25, s20, $0xb8;
	[tilespmem:$0x1E800] =	vst v63  }
0x68: {  	_ =	swait.ge [sflag:s23], $0x4000  }
0x69: {  	[sflag:s23] =	ssyncset.done $0x0  }
0x6a: {  	[sflag:s23] =	ssyncadd.s32 $0xFFFFC000  }
0x6b: {  	[spmem:s3] =	stream.indirect.scatter.add.f32 [tilespmem:s21], [sflag:$0x3], $0x80, s26, s20, $0xb8;
	[tilespmem:$0x1E800] =	vst v63  }
0x6c: {  	_ =	swait.ge [sflag:s14], $0x4000  }
0x6d: {  	[sflag:s14] =	ssyncset.done $0x0  }
0x6e: {  	[sflag:s14] =	ssyncadd.s32 $0xFFFFC000  }
0x6f: {  	_ =	swait.ge [sflag:s24], $0x4000  }
0x70: {  	[sflag:s24] =	ssyncset.done $0x0  }
0x71: {  	[sflag:s24] =	ssyncadd.s32 $0xFFFFC000  }
0x72: {  	[spmem:s3] =	stream.indirect.scatter.add.f32 [tilespmem:s22], [sflag:$0x3], $0x80, s28, s20, $0xb8;
	[tilespmem:$0x1E800] =	vst v63  }
0x73: {  	_ =	swait.ge [sflag:s14], $0x4000  }
0x74: {  	[sflag:s14] =	ssyncset.done $0x0  }
0x75: {  	s7 =	simm.s32 $0x0;
	[sflag:s14] =	ssyncadd.s32 $0xFFFFC000  }
0x76: {  	[tilespmem:s7], [sflag:$0x3] =	stream.linear.gather [hbm4b:s9+s7], $0x1400, $0x38;
	[tilespmem:$0x1E800] =	vst v63  }
0x77: {  	_ =	swait.ge [sflag:s14], $0x1400  }
0x78: {  	[sflag:s14] =	ssyncset.done $0x0  }
0x79: {  	[sflag:s14] =	ssyncadd.s32 $0xFFFFEC00  }
0x7a: {  	[tilespmem:s19], [sflag:$0x3] =	stream.linear.gather [hbm4b:s10+s7], $0x1400, $0x38;
	[tilespmem:$0x1E800] =	vst v63  }
0x7b: {  	_ =	swait.ge [sflag:s14], $0x1400  }
0x7c: {  	[sflag:s14] =	ssyncset.done $0x0  }
0x7d: {  	[sflag:s14] =	ssyncadd.s32 $0xFFFFEC00  }
0x7e: {  	[tilespmem:s21], [sflag:$0x1] =	stream.indirect.gather [hbm4b:s1+s20], $0x80, s7, s20, $0xb8;
	[tilespmem:$0x1E800] =	vst v63  }
0x7f: {  	s2 =	simm.s32 $0x80  }
0x80: {  	[tilespmem:s22], [sflag:$0x2] =	stream.indirect.gather [hbm4b:s1+s20], $0x80, s2, s20, $0xb8;
	[tilespmem:$0x1E800] =	vst v63  }
0x81: {  	_ =	swait.ge [sflag:s23], $0x4000  }
0x82: {  	[sflag:s23] =	ssyncset.done $0x0  }
0x83: {  	s7 =	simm.s32 $0x1400;
	[sflag:s23] =	ssyncadd.s32 $0xFFFFC000  }
0x84: {  	[spmem:s3] =	stream.indirect.scatter.add.f32 [tilespmem:s21], [sflag:$0x3], $0x80, s7, s20, $0xb8;
	[tilespmem:$0x1E800] =	vst v63  }
0x85: {  	_ =	swait.ge [sflag:s14], $0x4000  }
0x86: {  	[sflag:s14] =	ssyncset.done $0x0  }
0x87: {  	s2 =	simm.s32 $0x100;
	[sflag:s14] =	ssyncadd.s32 $0xFFFFC000  }
0x88: {  	[tilespmem:s21], [sflag:$0x1] =	stream.indirect.gather [hbm4b:s1+s20], $0x80, s2, s20, $0xb8;
	[tilespmem:$0x1E800] =	vst v63  }
0x89: {  	_ =	swait.ge [sflag:s24], $0x4000  }
0x8a: {  	[sflag:s24] =	ssyncset.done $0x0  }
0x8b: {  	s7 =	simm.s32 $0x1480;
	[sflag:s24] =	ssyncadd.s32 $0xFFFFC000  }
0x8c: {  	[spmem:s3] =	stream.indirect.scatter.add.f32 [tilespmem:s22], [sflag:$0x3], $0x80, s7, s20, $0xb8;
	[tilespmem:$0x1E800] =	vst v63  }
0x8d: {  	_ =	swait.ge [sflag:s14], $0x4000  }
0x8e: {  	s31 =	simm.s32 $0x800;
	s30 =	simm.s32 $0x100;
	[sflag:s14] =	ssyncset.done $0x0  }
.LBB2_4:
0x8f: {  	s0 =	sadd.s32 $0x80, s30  }
0x90: {  	[sflag:s14] =	ssyncadd.s32 $0xFFFFC000;
	s2 =	smov.u32 s31;
	s7 =	sadd.s32 $0x400, s31  }
0x91: {  	[tilespmem:s22], [sflag:$0x2] =	stream.indirect.gather [hbm4b:s1+s20], $0x80, s0, s20, $0xb8;
	[tilespmem:$0x1E800] =	vst v63  }
0x92: {  	p0 =	sne.s32 s31, $0x4800;
	_ =	swait.ge [sflag:s23], $0x4000  }
0x93: {  	[sflag:s23] =	ssyncset.done $0x0  }
0x94: {  	s0 =	sadd.s32 $0x1400, s30;
	[sflag:s23] =	ssyncadd.s32 $0xFFFFC000  }
0x95: {  	[spmem:s3] =	stream.indirect.scatter.add.f32 [tilespmem:s21], [sflag:$0x3], $0x80, s0, s20, $0xb8;
	[tilespmem:$0x1E800] =	vst v63  }
0x96: {  	_ =	swait.ge [sflag:s14], $0x4000  }
0x97: {  	[sflag:s14] =	ssyncset.done $0x0  }
0x98: {  	s0 =	sadd.s32 $0x100, s30;
	[sflag:s14] =	ssyncadd.s32 $0xFFFFC000  }
0x99: {  	[tilespmem:s21], [sflag:$0x1] =	stream.indirect.gather [hbm4b:s1+s20], $0x80, s0, s20, $0xb8;
	[tilespmem:$0x1E800] =	vst v63  }
0x9a: {  	_ =	swait.ge [sflag:s24], $0x4000  }
.Ltmp1:
0x9b: {  	[sflag:s24] =	ssyncset.done $0x0;
	(pc) =	sbr.rel @p0 .LBB2_4-.Ltmp1, $4  }
0x9c: {  	s0 =	sadd.s32 $0x1480, s30;
	[sflag:s24] =	ssyncadd.s32 $0xFFFFC000  }
0x9d: {  	[spmem:s3] =	stream.indirect.scatter.add.f32 [tilespmem:s22], [sflag:$0x3], $0x80, s0, s20, $0xb8;
	[tilespmem:$0x1E800] =	vst v63  }
0x9e: {  	_ =	swait.ge [sflag:s14], $0x4000  }
0x9f: {  	s31 =	smov.u32 s7;
	s30 =	sshra.s32 s2, $0x2;
	[sflag:s14] =	ssyncset.done $0x0  }
0xa0: {  	s0 =	sadd.s32 $0x80, s30;
	[sflag:s14] =	ssyncadd.s32 $0xFFFFC000  }
0xa1: {  	[tilespmem:s22], [sflag:$0x2] =	stream.indirect.gather [hbm4b:s1+s20], $0x80, s0, s20, $0xb8;
	[tilespmem:$0x1E800] =	vst v63  }
0xa2: {  	_ =	swait.ge [sflag:s23], $0x4000  }
0xa3: {  	[sflag:s23] =	ssyncset.done $0x0  }
0xa4: {  	s2 =	sadd.s32 $0x1400, s30;
	[sflag:s23] =	ssyncadd.s32 $0xFFFFC000  }
0xa5: {  	[spmem:s3] =	stream.indirect.scatter.add.f32 [tilespmem:s21], [sflag:$0x3], $0x80, s2, s20, $0xb8;
	[tilespmem:$0x1E800] =	vst v63  }
0xa6: {  	_ =	swait.ge [sflag:s14], $0x4000  }
0xa7: {  	[sflag:s14] =	ssyncset.done $0x0  }
0xa8: {  	s7 =	sadd.s32 $0x100, s30;
	[sflag:s14] =	ssyncadd.s32 $0xFFFFC000  }
0xa9: {  	[tilespmem:s21], [sflag:$0x1] =	stream.indirect.gather [hbm4b:s1+s20], $0x80, s7, s20, $0xb8;
	[tilespmem:$0x1E800] =	vst v63  }
0xaa: {  	_ =	swait.ge [sflag:s24], $0x4000  }
0xab: {  	[sflag:s24] =	ssyncset.done $0x0  }
0xac: {  	s31 =	sadd.s32 $0x1480, s30;
	[sflag:s24] =	ssyncadd.s32 $0xFFFFC000  }
0xad: {  	[spmem:s3] =	stream.indirect.scatter.add.f32 [tilespmem:s22], [sflag:$0x3], $0x80, s31, s20, $0xb8;
	[tilespmem:$0x1E800] =	vst v63  }
0xae: {  	_ =	swait.ge [sflag:s14], $0x4000  }
0xaf: {  	[sflag:s14] =	ssyncset.done $0x0  }
0xb0: {  	[sflag:s14] =	ssyncadd.s32 $0xFFFFC000  }
0xb1: {  	[tilespmem:s22], [sflag:$0x2] =	stream.indirect.gather [hbm4b:s1+s20], $0x80, s25, s20, $0xb8;
	[tilespmem:$0x1E800] =	vst v63  }
0xb2: {  	_ =	swait.ge [sflag:s23], $0x4000  }
0xb3: {  	[sflag:s23] =	ssyncset.done $0x0  }
0xb4: {  	[sflag:s23] =	ssyncadd.s32 $0xFFFFC000  }
0xb5: {  	[spmem:s3] =	stream.indirect.scatter.add.f32 [tilespmem:s21], [sflag:$0x3], $0x80, s26, s20, $0xb8;
	[tilespmem:$0x1E800] =	vst v63  }
0xb6: {  	_ =	swait.ge [sflag:s14], $0x4000  }
0xb7: {  	[sflag:s14] =	ssyncset.done $0x0  }
0xb8: {  	[sflag:s14] =	ssyncadd.s32 $0xFFFFC000  }
0xb9: {  	_ =	swait.ge [sflag:s24], $0x4000  }
0xba: {  	[sflag:s24] =	ssyncset.done $0x0  }
0xbb: {  	[sflag:s24] =	ssyncadd.s32 $0xFFFFC000  }
0xbc: {  	[spmem:s3] =	stream.indirect.scatter.add.f32 [tilespmem:s22], [sflag:$0x3], $0x80, s28, s20, $0xb8;
	[tilespmem:$0x1E800] =	vst v63  }
0xbd: {  	_ =	swait.ge [sflag:s14], $0x4000  }
0xbe: {  	s29 =	sadd.s32 $0x1, s29;
	[sflag:s14] =	ssyncset.done $0x0  }
0xbf: {  	p0 =	sne.s32 s29, s12;
	[sflag:s14] =	ssyncadd.s32 $0xFFFFC000  }
.Ltmp2:
0xc0: {  	[bflag:$0x0] =	sbarrier.arrive $0xFFFF;
	(pc) =	sbr.rel @p0 .LBB2_1-.Ltmp2, $4  }
0xc1: {  	[hbm:s11], [sflag:s6] =	dma.local [spmem:s13], $0x2800  }
0xc2: {  	_ =	swait.ge [sflag:s14], $0x2800  }
0xc3: {  	[sflag:s14] =	ssyncset.done $0x0  }
0xc4: {  	[sflag:s14] =	ssyncadd.s32 $0xFFFFD800  }
0xc5: {  	_ =	sfence.sel $0x180000  }
0xc6: {  	[bflag:$0x0] =	sbarrier.arrive $0xFFFF  }
0xc7: {  	_ =	strace $0x9000004A  }
0xc8: {  	s0 =	stileid.u32;
	[bflag:$0x2] =	sbarrier.arrive $0xFFFF  }
0xc9: {  	p0 =	sne.s32 s0, $0x0;
	s0 =	rddreg [dreg:$0x3]  }
0xca: {  	s0 =	sadd.s32 @!p0 $0x100000, s0  }
0xcb: {  	[sflag:s0] =	ssyncadd.tile.s32 @!p0 $0x1;
	_ =	shalt  }
.Lfunc_end2:
_tile_overlayer_lowered:
.L_overlay_start_2:
0xcc: {  	(tag) =	ssettag $0x2  }
0xcd: {  	s0 =	rddreg [dreg:$0x0];
	s2 =	stileid.u32  }
0xce: {  	s1 =	rddreg [dreg:$0x1];
	p0 =	sne.s32 s2, $0x0  }
0xcf: {  	s3 =	rddreg [dreg:$0x2];
	[bflag:$0x3] =	sbarrier.arrive $0xFFFF;
	s2 =	simm.s32 @!p0 $0x1C03  }
0xd0: {  	[timem:s3], [sflag:s2] =	dma.local @!p0 [hbm:s0], s1  }
0xd1: {  	s0 =	simm.s32 @!p0 $0x3  }
0xd2: {  	_ =	swait.ge @!p0 [sflag:s0], s1  }
0xd3: {  	s1 =	ssub.s32 @!p0 $0x0, s1;
	[sflag:s0] =	ssyncset.done @!p0 $0x0  }
0xd4: {  	[sflag:s0] =	ssyncadd.s32 @!p0 s1  }
0xd5: {  	[bflag:$0x3] =	sbarrier.arrive $0xFFFF  }
0xd6: {  	_ =	shalt  }

// kernel: kernel.14.cloned.1.call-start
scs
__scs_entry_jumppad:
0x0: {  	(pc) =	sbr.rel $0x88, $3  }
0x1: {  	(tag) =	ssettag $0x0;
	lr =	simm.s32 $0x1  }
0x2: {  	[smem:$0x3F9B] =	sst lr;
	_ =	strace $0xD0000000  }
0x3: {  	_ = 	snop  }
0x4: {  	_ = 	snop  }
0x5: {  	_ = 	snop  }
0x6: {  	_ = 	snop  }
0x7: {  	_ = 	snop  }
__scs_overlays_trampoline_lowered:
0x8: {  	[smem:$0x3FAA] =	sst s0  }
0x9: {  	[smem:$0x3FAB] =	sst s1  }
0xa: {  	[smem:$0x3FAC] =	sst s2  }
0xb: {  	[smem:$0x3FAD] =	sst s3  }
0xc: {  	[smem:$0x3FAE] =	sst s4  }
0xd: {  	[smem:$0x3FAF] =	sst s5  }
0xe: {  	[smem:$0x3FB0] =	sst s6  }
0xf: {  	[smem:$0x3FB1] =	sst s7  }
0x10: {  	[smem:$0x3FB2] =	sst s8  }
0x11: {  	[smem:$0x3FB3] =	sst s9;
	s0 =	simm.s32 @!p0 $0x0  }
0x12: {  	s1 =	sld [smem:$0x3F99];
	s0 =	simm.s32 @p0 $0x1  }
0x13: {  	[smem:$0x3FB4] =	sst s0;
	s0 =	simm.s32 @!p1 $0x0  }
0x14: {  	s2 =	sld [smem:$0x3F98];
	s0 =	simm.s32 @p1 $0x1  }
0x15: {  	[smem:$0x3FB5] =	sst s0;
	s0 =	simm.s32 @!p2 $0x0  }
0x16: {  	s3 =	sld [smem:$0x3FDB];
	s0 =	simm.s32 @p2 $0x1  }
0x17: {  	s4 =	simm.s32 $0x1BF5;
	[smem:$0x3FB7] =	sst s0  }
0x18: {  	s0 =	sld [smem:$0x3F9A];
	_ =	swait.ge [sflag:s4], $0x0  }
0x19: {  	s7 =	sld [smem:$0x3F9B]  }
0x1a: {  	s8 =	sadd.s32 $0xFFFFE003, lr  }
0x1b: {  	s9 =	sadd.s32 $0xFFFFFEF7, lr;
	s5 =	simm.s32 $0xFFFFFFFF;
	p2 =	slt.u32 s8, $0xFFFFF086  }
0x1c: {  	p1 =	slt.u32 s9, $0xF7A;
	s5 =	simm.s32 @!p2 $0x0  }
0x1d: {  	s5 =	simm.s32 @p1 $0x1;
	p0 =	seq.s32 s7, s2  }
0x1e: {  	s7 =	smul.u32 @!p0 $0xF7A, s2;
	p2 =	seq.s32 @!p0 s5, $0x0  }
0x1f: {  	s9 =	smul.u32 $0xF7A, s1;
	s8 =	simm.s32 @!p0 $0x1BF5;
	p2 =	por !p2, p0  }
0x20: {  	[sflag:s8] =	ssyncset.s32 @!p0 $0xFFFFF086;
	s6 =	sadd.s32 @!p0 s3, s7;
	s7 =	simm.s32 @!p0 $0x108  }
0x21: {  	s3 =	sadd.s32 s3, s9;
	s6 =	sadd.s32 @!p0 $0x88, s6;
	s7 =	simm.s32 @p2 $0x1082  }
0x22: {  	[simem:s7], [sflag:s8] =	dma.local @!p0 [hbm:s6], $0xF7A  }
0x23: {  	s9 =	sor.u32 $0xD0000000, s2;
	s6 =	simm.s32 $0x108;
	_ =	swait.ge @!p0 [sflag:s8], $0x0  }
0x24: {  	s3 =	sadd.s32 $0x88, s3;
	s6 =	simm.s32 @!p1 $0x1082;
	[sflag:s4] =	ssyncset.s32 $0xFFFFF086  }
0x25: {  	[simem:s6], [sflag:s4] =	dma.local [hbm:s3], $0xF7A  }
0x26: {  	[smem:$0x3F9B] =	sst s1;
	(tag) =	ssettag s2;
	_ =	strace s9  }
0x27: {  	s1 =	sld [smem:$0x3FAB]  }
0x28: {  	s2 =	sld [smem:$0x3FAC]  }
0x29: {  	s4 =	sld [smem:$0x3FAE]  }
0x2a: {  	p0 =	seq.s32 s5, $0x0;
	s5 =	sld [smem:$0x3FAF]  }
0x2b: {  	s6 =	sld [smem:$0x3FB0]  }
0x2c: {  	s7 =	sld [smem:$0x3FB1]  }
0x2d: {  	s3 =	simm.s32 $0x108;
	s8 =	sld [smem:$0x3FB2]  }
0x2e: {  	s3 =	simm.s32 @!p0 $0x1082;
	s9 =	sld [smem:$0x3FB3]  }
0x2f: {  	lr =	sadd.s32 s0, s3;
	s0 =	sld [smem:$0x3FAA]  }
0x30: {  	s3 =	sld [smem:$0x3FAD]  }
0x31: {  	[smem:$0x3FB6] =	sst s10  }
0x32: {  	s10 =	sld [smem:$0x3FB4];
	_ =	sdelay $0x3  }
0x33: {  	p0 =	seq.s32 s10, $0x1;
	s10 =	sld [smem:$0x3FB6];
	_ =	sdelay $0x3  }
0x34: {  	[smem:$0x3FB6] =	sst s10  }
0x35: {  	s10 =	sld [smem:$0x3FB5];
	_ =	sdelay $0x3  }
0x36: {  	p1 =	seq.s32 s10, $0x1;
	s10 =	sld [smem:$0x3FB6];
	_ =	sdelay $0x3  }
0x37: {  	[smem:$0x3FB6] =	sst s10  }
0x38: {  	s10 =	sld [smem:$0x3FB7]  }
0x39: {  	_ = 	snop;
	(pc) =	sbr.ind lr, $3  }
0x3a: {  	_ = 	snop  }
0x3b: {  	_ = 	snop  }
0x3c: {  	p2 =	seq.s32 s10, $0x1;
	s10 =	sld [smem:$0x3FB6]  }
0x3d: {  	_ =	shalt  }
0x3e: {  	_ =	shalt  }
0x3f: {  	_ =	shalt  }
0x40: {  	_ =	shalt  }
0x41: {  	_ =	shalt  }
0x42: {  	_ =	shalt  }
0x43: {  	_ =	shalt  }
0x44: {  	_ =	shalt  }
0x45: {  	_ =	shalt  }
0x46: {  	_ =	shalt  }
0x47: {  	_ =	shalt  }
0x48: {  	_ =	shalt  }
0x49: {  	_ =	shalt  }
0x4a: {  	_ =	shalt  }
0x4b: {  	_ =	shalt  }
0x4c: {  	_ =	shalt  }
0x4d: {  	_ =	shalt  }
0x4e: {  	_ =	shalt  }
0x4f: {  	_ =	shalt  }
0x50: {  	_ =	shalt  }
0x51: {  	_ =	shalt  }
0x52: {  	_ =	shalt  }
0x53: {  	_ =	shalt  }
0x54: {  	_ =	shalt  }
0x55: {  	_ =	shalt  }
0x56: {  	_ =	shalt  }
0x57: {  	_ =	shalt  }
0x58: {  	_ =	shalt  }
0x59: {  	_ =	shalt  }
0x5a: {  	_ =	shalt  }
0x5b: {  	_ =	shalt  }
0x5c: {  	_ =	shalt  }
0x5d: {  	_ =	shalt  }
0x5e: {  	_ =	shalt  }
0x5f: {  	_ =	shalt  }
0x60: {  	_ =	shalt  }
0x61: {  	_ =	shalt  }
0x62: {  	_ =	shalt  }
0x63: {  	_ =	shalt  }
0x64: {  	_ =	shalt  }
0x65: {  	_ =	shalt  }
0x66: {  	_ =	shalt  }
0x67: {  	_ =	shalt  }
0x68: {  	_ =	shalt  }
0x69: {  	_ =	shalt  }
0x6a: {  	_ =	shalt  }
0x6b: {  	_ =	shalt  }
0x6c: {  	_ =	shalt  }
0x6d: {  	_ =	shalt  }
0x6e: {  	_ =	shalt  }
0x6f: {  	_ =	shalt  }
0x70: {  	_ =	shalt  }
0x71: {  	_ =	shalt  }
0x72: {  	_ =	shalt  }
0x73: {  	_ =	shalt  }
0x74: {  	_ =	shalt  }
0x75: {  	_ =	shalt  }
0x76: {  	_ =	shalt  }
0x77: {  	_ =	shalt  }
0x78: {  	_ =	shalt  }
0x79: {  	_ =	shalt  }
0x7a: {  	_ =	shalt  }
0x7b: {  	_ =	shalt  }
0x7c: {  	_ =	shalt  }
0x7d: {  	_ =	shalt  }
0x7e: {  	_ =	shalt  }
0x7f: {  	_ =	shalt  }
0x80: {  	_ =	shalt  }
0x81: {  	_ =	shalt  }
0x82: {  	_ =	shalt  }
0x83: {  	_ =	shalt  }
0x84: {  	_ =	shalt  }
0x85: {  	_ =	shalt  }
0x86: {  	_ =	shalt  }
0x87: {  	_ =	shalt  }
.Lfunc_end0:
.L_simem_size_0:
called_computation.2_lowered:
.L_overlay_start_0:
0x88: {  	s2 =	sld [smem:$0x3FD9]  }
0x89: {  	s3 =	sld [smem:$0x3FFE];
	_ =	sdelay $0x1  }
0x8a: {  	s1 =	srdreg.scid  }
0x8b: {  	s0 =	sand.u32 $0x1, s1  }
0x8c: {  	s17 =	sshll.u32 s0, $0xA;
	s2 =	sadd.s32 s3, s2  }
0x8d: {  	s2 =	sadd.s32 s2, s17  }
0x8e: {  	[smem:$0x3FC2] =	sst s2  }
0x8f: {  	_ = 	snop  }
0x90: {  	s2 =	sld [smem:$0x3FD0];
	(tm) =	ssettm $0x1  }
0x91: {  	s18 =	sld [smem:$0x3FFB];
	_ =	sdelay $0x3  }
0x92: {  	_ =	strace s18  }
0x93: {  	s3 =	sld [smem:$0x3FFC];
	_ =	sdelay $0x3  }
0x94: {  	_ =	strace s3  }
0x95: {  	s3 =	sld [smem:$0x3FFD];
	_ =	sdelay $0x3  }
0x96: {  	_ =	strace s3  }
0x97: {  	_ =	strace $0x8FFFFFFF  }
0x98: {  	s19 =	sld [smem:$0x3FDB];
	_ =	sdelay $0x1  }
0x99: {  	s4 =	simm.s32 $_scs_section_size  }
0x9a: {  	s5 =	simm.s32 $_size__tile_overlayer_lowered;
	s6 =	simm.s32 $_tile_overlayer_lowered  }
0x9b: {  	s22 =	simm.s32 $0x1BFF;
	s21 =	sshll.u32 s6, $0x1;
	s3 =	sadd.s32 s4, s19  }
0x9c: {  	s7 =	simm.s32 $0x0;
	s20 =	sshll.u32 s5, $0x1;
	s5 =	sadd.s32 s21, s3  }
0x9d: {  	[timem:s7], [sflag:s22] =	dma.local [hbm:s5], s20  }
0x9e: {  	_ =	swait.ge [sflag:s22], s20  }
0x9f: {  	s4 =	ssub.s32 $0x0, s20;
	[sflag:s22] =	ssyncset.done $0x0  }
0xa0: {  	[sflag:s22] =	ssyncadd.s32 s4;
	_ =	sdelay $0x1  }
0xa1: {  	s23 =	simm.s32 $0x1B8B  }
0xa2: {  	_ =	swait.ge [sflag:s23], $0x1  }
0xa3: {  	[sflag:s23] =	ssyncset.done $0x0  }
0xa4: {  	s25 =	simm.s32 $0x1B8E;
	s24 =	sld [smem:$0x3FFE];
	[sflag:s23] =	ssyncadd.s32 $0xFFFFFFFF  }
0xa5: {  	s26 =	simm.s32 $execute0_lowered;
	[smem:$0x3FD2] =	sst s25  }
0xa6: {  	s5 =	sshll.u32 s26, $0x1;
	_ =	strace $0x8000004C;
	[dreg:$0x1] =	wrdreg $0xFFFFFFFF  }
0xa7: {  	s28 =	simm.s32 $_size_execute0_lowered;
	s3 =	sadd.s32 s3, s5;
	[dreg:$0x0] =	wrdreg $0x0  }
0xa8: {  	s5 =	sshll.u32 s28, $0x1;
	[dreg:$0x2] =	wrdreg s3  }
0xa9: {  	[dreg:$0x3] =	wrdreg s5  }
0xaa: {  	[dreg:$0x4] =	wrdreg $0xC0  }
0xab: {  	_ =	task [dreg:s7], $0x5FFFF  }
0xac: {  	[dreg:$0x1] =	wrdreg $0xFFFFFFFF  }
0xad: {  	[dreg:$0x0] =	wrdreg $0x60  }
0xae: {  	[dreg:$0x2] =	wrdreg s24  }
0xaf: {  	[dreg:$0x3] =	wrdreg s2  }
0xb0: {  	[dreg:$0x4] =	wrdreg $0xA8000  }
0xb1: {  	[dreg:$0x5] =	wrdreg $0x9  }
0xb2: {  	_ =	task.clear_ibuf [dreg:s7], $0x6FFFF;
	_ =	strace $0x9000004C  }
0xb3: {  	s29 =	simm.s32 $0x9;
	_ =	strace $0x8000004E  }
0xb4: {  	_ =	swait.ge [sflag:s29], $0x1  }
0xb5: {  	[sflag:s29] =	ssyncadd.s32 $0xFFFFFFFF  }
0xb6: {  	_ =	strace $0x9000004E  }
0xb7: {  	_ =	sfence  }
0xb8: {  	s30 =	sld [smem:$0x0];
	_ =	sdelay $0x2  }
0xb9: {  	s31 =	sshll.u32 s1, $0xD;
	s1 =	sshrl.u32 s1, $0x2  }
0xba: {  	s3 =	sand.u32 $0x4000, s31;
	s1 =	sadd.s32 s1, s30  }
0xbb: {  	s0 =	sor.u32 s3, s0;
	s1 =	sshll.u32 s1, $0x11  }
0xbc: {  	s0 =	sor.u32 s1, s0  }
0xbd: {  	s0 =	sadd.s32 $0x8F2B, s0  }
0xbe: {  	[sflag:s0] =	ssyncadd.remote.s32 $0x1  }
0xbf: {  	_ =	sfence.sel $0xFFFF  }
0xc0: {  	[dreg:$0x0] =	wrdreg $0xFFFFFFFF;
	(pc) =	sbr.abs _section_cstart, $3  }
0xc1: {  	[dreg:$0x1] =	wrdreg $0xFFFFFFFF  }
0xc2: {  	_ =	task.clear_ibuf [dreg:s7], $0x2FFFF;
	_ =	strace $0x9FFFFFFF  }
0xc3: {  	(tm) =	ssettm $0x7FFFFFFF  }
tec
execute0_lowered:
.L_overlay_start_1:
0x0: {  	(tag) =	ssettag $0x1  }
0x1: {  	s6 =	rddreg [dreg:$0x0]  }
0x2: {  	s1 =	rddreg [dreg:$0x1]  }
0x3: {  	s3 =	rddreg [dreg:$0x2]  }
0x4: {  	s4 =	simm.s32 $0x0;
	s5 =	srdreg.scid;
	s0 =	stileid.u32  }
0x5: {  	s20 =	simm.s32 $0x80;
	s28 =	simm.s32 $0x2780;
	s29 =	simm.s32 $0x0  }
0x6: {  	[smem:$0x7FF] =	sst s4;
	s7 =	sand.u32 $0x1, s5;
	s8 =	smul.u32 $0x2800, s0  }
0x7: {  	s10 =	sadd.s32 $0xC600, s6;
	s11 =	sadd.s32 $0x2600, s6;
	s5 =	sadd.s32 $0x16600, s6  }
0x8: {  	s12 =	smul.u32 $0x50000, s0;
	s24 =	sshll.u32 s0, $0x6;
	_ =	strace $0x8000004D  }
0x9: {  	s9 =	smul.u32 $0x28000, s7;
	s21 =	ssub.s32 $0x2, s7;
	s7 =	sshll.u32 s7, $0x4  }
0xa: {  	s22 =	sshrl.u32 s21, $0x1;
	s7 =	sor.u32 s0, s7;
	s23 =	sshrl.u32 s12, $0x2  }
0xb: {  	s8 =	sadd.s32 s8, s9;
	s14 =	ssub.s32 s21, s22;
	s25 =	smul.u32 $0x2800, s7  }
0xc: {  	s15 =	sadd.s32 s23, s3;
	s26 =	smul.u32 $0x500, s7;
	s21 =	simm.s32 $0x2800  }
0xd: {  	s22 =	simm.s32 $0x6800;
	s23 =	simm.s32 $0x1;
	s13 =	sadd.s32 s8, s6  }
0xe: {  	s6 =	sor.u32 $0x1C03, s24;
	s16 =	sadd.s32 $0x4000, s15;
	s17 =	sadd.s32 $0x8000, s15  }
0xf: {  	s18 =	sadd.s32 $0xC000, s15;
	s19 =	sadd.s32 $0x10000, s15;
	s12 =	smax.u32 s14, $0x1  }
0x10: {  	s14 =	simm.s32 $0x3;
	s24 =	simm.s32 $0x2;
	s30 =	sadd.s32 s10, s26  }
0x11: {  	s8 =	sshrl.u32 s25, $0x3;
	s25 =	simm.s32 $0x1380;
	[dreg:$0x4] =	wrdreg s30  }
0x12: {  	s31 =	sadd.s32 $0x280, s8;
	s8 =	sadd.s32 s11, s26;
	s26 =	simm.s32 $0x2700  }
0x13: {  	s9 =	sadd.s32 s10, s31;
	s10 =	sadd.s32 s11, s31;
	s11 =	sadd.s32 $0x16E00, s13  }
0x14: {  	s13 =	sshrl.u32 s15, $0x3;
	s15 =	sshrl.u32 s16, $0x3;
	s16 =	sshrl.u32 s17, $0x3  }
0x15: {  	s17 =	sshrl.u32 s18, $0x3;
	s18 =	sshrl.u32 s19, $0x3;
	s19 =	simm.s32 $0x1400  }
.LBB2_1:
0x16: {  	[spmem:s13], [sflag:s6] =	dma.local [hbm:s5], $0x800  }
0x17: {  	_ =	swait.ge [sflag:s14], $0x800  }
0x18: {  	[sflag:s14] =	ssyncset.done $0x0  }
0x19: {  	[sflag:s14] =	ssyncadd.s32 $0xFFFFF800  }
0x1a: {  	[spmem:s15], [sflag:s6] =	dma.local [hbm:s5], $0x800  }
0x1b: {  	_ =	swait.ge [sflag:s14], $0x800  }
0x1c: {  	[sflag:s14] =	ssyncset.done $0x0  }
0x1d: {  	[sflag:s14] =	ssyncadd.s32 $0xFFFFF800  }
0x1e: {  	[spmem:s16], [sflag:s6] =	dma.local [hbm:s5], $0x800  }
0x1f: {  	_ =	swait.ge [sflag:s14], $0x800  }
0x20: {  	[sflag:s14] =	ssyncset.done $0x0  }
0x21: {  	[sflag:s14] =	ssyncadd.s32 $0xFFFFF800  }
0x22: {  	[spmem:s17], [sflag:s6] =	dma.local [hbm:s5], $0x800  }
0x23: {  	_ =	swait.ge [sflag:s14], $0x800  }
0x24: {  	[sflag:s14] =	ssyncset.done $0x0  }
0x25: {  	[sflag:s14] =	ssyncadd.s32 $0xFFFFF800  }
0x26: {  	[spmem:s18], [sflag:s6] =	dma.local [hbm:s5], $0x800  }
0x27: {  	_ =	swait.ge [sflag:s14], $0x800  }
0x28: {  	[sflag:s14] =	ssyncset.done $0x0  }
0x29: {  	[sflag:s14] =	ssyncadd.s32 $0xFFFFF800  }
0x2a: {  	[bflag:$0x0] =	sbarrier.arrive $0xFFFF  }
0x2b: {  	s0 =	rddreg [dreg:$0x4]  }
0x2c: {  	[tilespmem:s4], [sflag:$0x3] =	stream.linear.gather [hbm4b:s0+s4], $0x1400, $0x38;
	[tilespmem:$0x1E800] =	vst v63  }
0x2d: {  	_ =	swait.ge [sflag:s14], $0x1400  }
0x2e: {  	[sflag:s14] =	ssyncset.done $0x0  }
0x2f: {  	[sflag:s14] =	ssyncadd.s32 $0xFFFFEC00  }
0x30: {  	[tilespmem:s19], [sflag:$0x3] =	stream.linear.gather [hbm4b:s8+s4], $0x1400, $0x38;
	[tilespmem:$0x1E800] =	vst v63  }
0x31: {  	_ =	swait.ge [sflag:s14], $0x1400  }
0x32: {  	[sflag:s14] =	ssyncset.done $0x0  }
0x33: {  	[sflag:s14] =	ssyncadd.s32 $0xFFFFEC00  }
0x34: {  	[tilespmem:s21], [sflag:$0x1] =	stream.indirect.gather [hbm4b:s1+s20], $0x80, s4, s20, $0xb8;
	[tilespmem:$0x1E800] =	vst v63  }
0x35: {  	s30 =	simm.s32 $0x80  }
0x36: {  	[tilespmem:s22], [sflag:$0x2] =	stream.indirect.gather [hbm4b:s1+s20], $0x80, s30, s20, $0xb8;
	[tilespmem:$0x1E800] =	vst v63  }
0x37: {  	_ =	swait.ge [sflag:s23], $0x4000  }
0x38: {  	[sflag:s23] =	ssyncset.done $0x0  }
0x39: {  	s30 =	simm.s32 $0x1400;
	[sflag:s23] =	ssyncadd.s32 $0xFFFFC000  }
0x3a: {  	[spmem:s3] =	stream.indirect.scatter.add.f32 [tilespmem:s21], [sflag:$0x3], $0x80, s30, s20, $0xb8;
	[tilespmem:$0x1E800] =	vst v63  }
0x3b: {  	_ =	swait.ge [sflag:s14], $0x4000  }
0x3c: {  	[sflag:s14] =	ssyncset.done $0x0  }
0x3d: {  	s30 =	simm.s32 $0x100;
	[sflag:s14] =	ssyncadd.s32 $0xFFFFC000  }
0x3e: {  	[tilespmem:s21], [sflag:$0x1] =	stream.indirect.gather [hbm4b:s1+s20], $0x80, s30, s20, $0xb8;
	[tilespmem:$0x1E800] =	vst v63  }
0x3f: {  	_ =	swait.ge [sflag:s24], $0x4000  }
0x40: {  	[sflag:s24] =	ssyncset.done $0x0  }
0x41: {  	s30 =	simm.s32 $0x1480;
	[sflag:s24] =	ssyncadd.s32 $0xFFFFC000  }
0x42: {  	[spmem:s3] =	stream.indirect.scatter.add.f32 [tilespmem:s22], [sflag:$0x3], $0x80, s30, s20, $0xb8;
	[tilespmem:$0x1E800] =	vst v63  }
0x43: {  	_ =	swait.ge [sflag:s14], $0x4000  }
0x44: {  	s31 =	simm.s32 $0x800;
	s30 =	simm.s32 $0x100;
	[sflag:s14] =	ssyncset.done $0x0  }
.LBB2_2:
0x45: {  	s0 =	sadd.s32 $0x80, s30  }
0x46: {  	[sflag:s14] =	ssyncadd.s32 $0xFFFFC000;
	s2 =	smov.u32 s31;
	s7 =	sadd.s32 $0x400, s31  }
0x47: {  	[tilespmem:s22], [sflag:$0x2] =	stream.indirect.gather [hbm4b:s1+s20], $0x80, s0, s20, $0xb8;
	[tilespmem:$0x1E800] =	vst v63  }
0x48: {  	p0 =	sne.s32 s31, $0x4800;
	_ =	swait.ge [sflag:s23], $0x4000  }
0x49: {  	[sflag:s23] =	ssyncset.done $0x0  }
0x4a: {  	s0 =	sadd.s32 $0x1400, s30;
	[sflag:s23] =	ssyncadd.s32 $0xFFFFC000  }
0x4b: {  	[spmem:s3] =	stream.indirect.scatter.add.f32 [tilespmem:s21], [sflag:$0x3], $0x80, s0, s20, $0xb8;
	[tilespmem:$0x1E800] =	vst v63  }
0x4c: {  	_ =	swait.ge [sflag:s14], $0x4000  }
0x4d: {  	[sflag:s14] =	ssyncset.done $0x0  }
0x4e: {  	s0 =	sadd.s32 $0x100, s30;
	[sflag:s14] =	ssyncadd.s32 $0xFFFFC000  }
0x4f: {  	[tilespmem:s21], [sflag:$0x1] =	stream.indirect.gather [hbm4b:s1+s20], $0x80, s0, s20, $0xb8;
	[tilespmem:$0x1E800] =	vst v63  }
0x50: {  	_ =	swait.ge [sflag:s24], $0x4000  }
.Ltmp0:
0x51: {  	[sflag:s24] =	ssyncset.done $0x0;
	(pc) =	sbr.rel @p0 .LBB2_2-.Ltmp0, $4  }
0x52: {  	s0 =	sadd.s32 $0x1480, s30;
	[sflag:s24] =	ssyncadd.s32 $0xFFFFC000  }
0x53: {  	[spmem:s3] =	stream.indirect.scatter.add.f32 [tilespmem:s22], [sflag:$0x3], $0x80, s0, s20, $0xb8;
	[tilespmem:$0x1E800] =	vst v63  }
0x54: {  	_ =	swait.ge [sflag:s14], $0x4000  }
0x55: {  	s31 =	smov.u32 s7;
	s30 =	sshra.s32 s2, $0x2;
	[sflag:s14] =	ssyncset.done $0x0  }
0x56: {  	s0 =	sadd.s32 $0x80, s30;
	[sflag:s14] =	ssyncadd.s32 $0xFFFFC000  }
0x57: {  	[tilespmem:s22], [sflag:$0x2] =	stream.indirect.gather [hbm4b:s1+s20], $0x80, s0, s20, $0xb8;
	[tilespmem:$0x1E800] =	vst v63  }
0x58: {  	_ =	swait.ge [sflag:s23], $0x4000  }
0x59: {  	[sflag:s23] =	ssyncset.done $0x0  }
0x5a: {  	s2 =	sadd.s32 $0x1400, s30;
	[sflag:s23] =	ssyncadd.s32 $0xFFFFC000  }
0x5b: {  	[spmem:s3] =	stream.indirect.scatter.add.f32 [tilespmem:s21], [sflag:$0x3], $0x80, s2, s20, $0xb8;
	[tilespmem:$0x1E800] =	vst v63  }
0x5c: {  	_ =	swait.ge [sflag:s14], $0x4000  }
0x5d: {  	[sflag:s14] =	ssyncset.done $0x0  }
0x5e: {  	s7 =	sadd.s32 $0x100, s30;
	[sflag:s14] =	ssyncadd.s32 $0xFFFFC000  }
0x5f: {  	[tilespmem:s21], [sflag:$0x1] =	stream.indirect.gather [hbm4b:s1+s20], $0x80, s7, s20, $0xb8;
	[tilespmem:$0x1E800] =	vst v63  }
0x60: {  	_ =	swait.ge [sflag:s24], $0x4000  }
0x61: {  	[sflag:s24] =	ssyncset.done $0x0  }
0x62: {  	s2 =	sadd.s32 $0x1480, s30;
	[sflag:s24] =	ssyncadd.s32 $0xFFFFC000  }
0x63: {  	[spmem:s3] =	stream.indirect.scatter.add.f32 [tilespmem:s22], [sflag:$0x3], $0x80, s2, s20, $0xb8;
	[tilespmem:$0x1E800] =	vst v63  }
0x64: {  	_ =	swait.ge [sflag:s14], $0x4000  }
0x65: {  	[sflag:s14] =	ssyncset.done $0x0  }
0x66: {  	[sflag:s14] =	ssyncadd.s32 $0xFFFFC000  }
0x67: {  	[tilespmem:s22], [sflag:$0x2] =	stream.indirect.gather [hbm4b:s1+s20], $0x80, s25, s20, $0xb8;
	[tilespmem:$0x1E800] =	vst v63  }
0x68: {  	_ =	swait.ge [sflag:s23], $0x4000  }
0x69: {  	[sflag:s23] =	ssyncset.done $0x0  }
0x6a: {  	[sflag:s23] =	ssyncadd.s32 $0xFFFFC000  }
0x6b: {  	[spmem:s3] =	stream.indirect.scatter.add.f32 [tilespmem:s21], [sflag:$0x3], $0x80, s26, s20, $0xb8;
	[tilespmem:$0x1E800] =	vst v63  }
0x6c: {  	_ =	swait.ge [sflag:s14], $0x4000  }
0x6d: {  	[sflag:s14] =	ssyncset.done $0x0  }
0x6e: {  	[sflag:s14] =	ssyncadd.s32 $0xFFFFC000  }
0x6f: {  	_ =	swait.ge [sflag:s24], $0x4000  }
0x70: {  	[sflag:s24] =	ssyncset.done $0x0  }
0x71: {  	[sflag:s24] =	ssyncadd.s32 $0xFFFFC000  }
0x72: {  	[spmem:s3] =	stream.indirect.scatter.add.f32 [tilespmem:s22], [sflag:$0x3], $0x80, s28, s20, $0xb8;
	[tilespmem:$0x1E800] =	vst v63  }
0x73: {  	_ =	swait.ge [sflag:s14], $0x4000  }
0x74: {  	[sflag:s14] =	ssyncset.done $0x0  }
0x75: {  	s7 =	simm.s32 $0x0;
	[sflag:s14] =	ssyncadd.s32 $0xFFFFC000  }
0x76: {  	[tilespmem:s7], [sflag:$0x3] =	stream.linear.gather [hbm4b:s9+s7], $0x1400, $0x38;
	[tilespmem:$0x1E800] =	vst v63  }
0x77: {  	_ =	swait.ge [sflag:s14], $0x1400  }
0x78: {  	[sflag:s14] =	ssyncset.done $0x0  }
0x79: {  	[sflag:s14] =	ssyncadd.s32 $0xFFFFEC00  }
0x7a: {  	[tilespmem:s19], [sflag:$0x3] =	stream.linear.gather [hbm4b:s10+s7], $0x1400, $0x38;
	[tilespmem:$0x1E800] =	vst v63  }
0x7b: {  	_ =	swait.ge [sflag:s14], $0x1400  }
0x7c: {  	[sflag:s14] =	ssyncset.done $0x0  }
0x7d: {  	[sflag:s14] =	ssyncadd.s32 $0xFFFFEC00  }
0x7e: {  	[tilespmem:s21], [sflag:$0x1] =	stream.indirect.gather [hbm4b:s1+s20], $0x80, s7, s20, $0xb8;
	[tilespmem:$0x1E800] =	vst v63  }
0x7f: {  	s2 =	simm.s32 $0x80  }
0x80: {  	[tilespmem:s22], [sflag:$0x2] =	stream.indirect.gather [hbm4b:s1+s20], $0x80, s2, s20, $0xb8;
	[tilespmem:$0x1E800] =	vst v63  }
0x81: {  	_ =	swait.ge [sflag:s23], $0x4000  }
0x82: {  	[sflag:s23] =	ssyncset.done $0x0  }
0x83: {  	s7 =	simm.s32 $0x1400;
	[sflag:s23] =	ssyncadd.s32 $0xFFFFC000  }
0x84: {  	[spmem:s3] =	stream.indirect.scatter.add.f32 [tilespmem:s21], [sflag:$0x3], $0x80, s7, s20, $0xb8;
	[tilespmem:$0x1E800] =	vst v63  }
0x85: {  	_ =	swait.ge [sflag:s14], $0x4000  }
0x86: {  	[sflag:s14] =	ssyncset.done $0x0  }
0x87: {  	s2 =	simm.s32 $0x100;
	[sflag:s14] =	ssyncadd.s32 $0xFFFFC000  }
0x88: {  	[tilespmem:s21], [sflag:$0x1] =	stream.indirect.gather [hbm4b:s1+s20], $0x80, s2, s20, $0xb8;
	[tilespmem:$0x1E800] =	vst v63  }
0x89: {  	_ =	swait.ge [sflag:s24], $0x4000  }
0x8a: {  	[sflag:s24] =	ssyncset.done $0x0  }
0x8b: {  	s7 =	simm.s32 $0x1480;
	[sflag:s24] =	ssyncadd.s32 $0xFFFFC000  }
0x8c: {  	[spmem:s3] =	stream.indirect.scatter.add.f32 [tilespmem:s22], [sflag:$0x3], $0x80, s7, s20, $0xb8;
	[tilespmem:$0x1E800] =	vst v63  }
0x8d: {  	_ =	swait.ge [sflag:s14], $0x4000  }
0x8e: {  	s31 =	simm.s32 $0x800;
	s30 =	simm.s32 $0x100;
	[sflag:s14] =	ssyncset.done $0x0  }
.LBB2_4:
0x8f: {  	s0 =	sadd.s32 $0x80, s30  }
0x90: {  	[sflag:s14] =	ssyncadd.s32 $0xFFFFC000;
	s2 =	smov.u32 s31;
	s7 =	sadd.s32 $0x400, s31  }
0x91: {  	[tilespmem:s22], [sflag:$0x2] =	stream.indirect.gather [hbm4b:s1+s20], $0x80, s0, s20, $0xb8;
	[tilespmem:$0x1E800] =	vst v63  }
0x92: {  	p0 =	sne.s32 s31, $0x4800;
	_ =	swait.ge [sflag:s23], $0x4000  }
0x93: {  	[sflag:s23] =	ssyncset.done $0x0  }
0x94: {  	s0 =	sadd.s32 $0x1400, s30;
	[sflag:s23] =	ssyncadd.s32 $0xFFFFC000  }
0x95: {  	[spmem:s3] =	stream.indirect.scatter.add.f32 [tilespmem:s21], [sflag:$0x3], $0x80, s0, s20, $0xb8;
	[tilespmem:$0x1E800] =	vst v63  }
0x96: {  	_ =	swait.ge [sflag:s14], $0x4000  }
0x97: {  	[sflag:s14] =	ssyncset.done $0x0  }
0x98: {  	s0 =	sadd.s32 $0x100, s30;
	[sflag:s14] =	ssyncadd.s32 $0xFFFFC000  }
0x99: {  	[tilespmem:s21], [sflag:$0x1] =	stream.indirect.gather [hbm4b:s1+s20], $0x80, s0, s20, $0xb8;
	[tilespmem:$0x1E800] =	vst v63  }
0x9a: {  	_ =	swait.ge [sflag:s24], $0x4000  }
.Ltmp1:
0x9b: {  	[sflag:s24] =	ssyncset.done $0x0;
	(pc) =	sbr.rel @p0 .LBB2_4-.Ltmp1, $4  }
0x9c: {  	s0 =	sadd.s32 $0x1480, s30;
	[sflag:s24] =	ssyncadd.s32 $0xFFFFC000  }
0x9d: {  	[spmem:s3] =	stream.indirect.scatter.add.f32 [tilespmem:s22], [sflag:$0x3], $0x80, s0, s20, $0xb8;
	[tilespmem:$0x1E800] =	vst v63  }
0x9e: {  	_ =	swait.ge [sflag:s14], $0x4000  }
0x9f: {  	s31 =	smov.u32 s7;
	s30 =	sshra.s32 s2, $0x2;
	[sflag:s14] =	ssyncset.done $0x0  }
0xa0: {  	s0 =	sadd.s32 $0x80, s30;
	[sflag:s14] =	ssyncadd.s32 $0xFFFFC000  }
0xa1: {  	[tilespmem:s22], [sflag:$0x2] =	stream.indirect.gather [hbm4b:s1+s20], $0x80, s0, s20, $0xb8;
	[tilespmem:$0x1E800] =	vst v63  }
0xa2: {  	_ =	swait.ge [sflag:s23], $0x4000  }
0xa3: {  	[sflag:s23] =	ssyncset.done $0x0  }
0xa4: {  	s2 =	sadd.s32 $0x1400, s30;
	[sflag:s23] =	ssyncadd.s32 $0xFFFFC000  }
0xa5: {  	[spmem:s3] =	stream.indirect.scatter.add.f32 [tilespmem:s21], [sflag:$0x3], $0x80, s2, s20, $0xb8;
	[tilespmem:$0x1E800] =	vst v63  }
0xa6: {  	_ =	swait.ge [sflag:s14], $0x4000  }
0xa7: {  	[sflag:s14] =	ssyncset.done $0x0  }
0xa8: {  	s7 =	sadd.s32 $0x100, s30;
	[sflag:s14] =	ssyncadd.s32 $0xFFFFC000  }
0xa9: {  	[tilespmem:s21], [sflag:$0x1] =	stream.indirect.gather [hbm4b:s1+s20], $0x80, s7, s20, $0xb8;
	[tilespmem:$0x1E800] =	vst v63  }
0xaa: {  	_ =	swait.ge [sflag:s24], $0x4000  }
0xab: {  	[sflag:s24] =	ssyncset.done $0x0  }
0xac: {  	s31 =	sadd.s32 $0x1480, s30;
	[sflag:s24] =	ssyncadd.s32 $0xFFFFC000  }
0xad: {  	[spmem:s3] =	stream.indirect.scatter.add.f32 [tilespmem:s22], [sflag:$0x3], $0x80, s31, s20, $0xb8;
	[tilespmem:$0x1E800] =	vst v63  }
0xae: {  	_ =	swait.ge [sflag:s14], $0x4000  }
0xaf: {  	[sflag:s14] =	ssyncset.done $0x0  }
0xb0: {  	[sflag:s14] =	ssyncadd.s32 $0xFFFFC000  }
0xb1: {  	[tilespmem:s22], [sflag:$0x2] =	stream.indirect.gather [hbm4b:s1+s20], $0x80, s25, s20, $0xb8;
	[tilespmem:$0x1E800] =	vst v63  }
0xb2: {  	_ =	swait.ge [sflag:s23], $0x4000  }
0xb3: {  	[sflag:s23] =	ssyncset.done $0x0  }
0xb4: {  	[sflag:s23] =	ssyncadd.s32 $0xFFFFC000  }
0xb5: {  	[spmem:s3] =	stream.indirect.scatter.add.f32 [tilespmem:s21], [sflag:$0x3], $0x80, s26, s20, $0xb8;
	[tilespmem:$0x1E800] =	vst v63  }
0xb6: {  	_ =	swait.ge [sflag:s14], $0x4000  }
0xb7: {  	[sflag:s14] =	ssyncset.done $0x0  }
0xb8: {  	[sflag:s14] =	ssyncadd.s32 $0xFFFFC000  }
0xb9: {  	_ =	swait.ge [sflag:s24], $0x4000  }
0xba: {  	[sflag:s24] =	ssyncset.done $0x0  }
0xbb: {  	[sflag:s24] =	ssyncadd.s32 $0xFFFFC000  }
0xbc: {  	[spmem:s3] =	stream.indirect.scatter.add.f32 [tilespmem:s22], [sflag:$0x3], $0x80, s28, s20, $0xb8;
	[tilespmem:$0x1E800] =	vst v63  }
0xbd: {  	_ =	swait.ge [sflag:s14], $0x4000  }
0xbe: {  	s29 =	sadd.s32 $0x1, s29;
	[sflag:s14] =	ssyncset.done $0x0  }
0xbf: {  	p0 =	sne.s32 s29, s12;
	[sflag:s14] =	ssyncadd.s32 $0xFFFFC000  }
.Ltmp2:
0xc0: {  	[bflag:$0x0] =	sbarrier.arrive $0xFFFF;
	(pc) =	sbr.rel @p0 .LBB2_1-.Ltmp2, $4  }
0xc1: {  	[hbm:s11], [sflag:s6] =	dma.local [spmem:s13], $0x2800  }
0xc2: {  	_ =	swait.ge [sflag:s14], $0x2800  }
0xc3: {  	[sflag:s14] =	ssyncset.done $0x0  }
0xc4: {  	[sflag:s14] =	ssyncadd.s32 $0xFFFFD800  }
0xc5: {  	_ =	sfence.sel $0x180000  }
0xc6: {  	[bflag:$0x0] =	sbarrier.arrive $0xFFFF  }
0xc7: {  	_ =	strace $0x9000004D  }
0xc8: {  	s0 =	stileid.u32;
	[bflag:$0x2] =	sbarrier.arrive $0xFFFF  }
0xc9: {  	p0 =	sne.s32 s0, $0x0;
	s0 =	rddreg [dreg:$0x3]  }
0xca: {  	s0 =	sadd.s32 @!p0 $0x100000, s0  }
0xcb: {  	[sflag:s0] =	ssyncadd.tile.s32 @!p0 $0x1;
	_ =	shalt  }
.Lfunc_end2:
_tile_overlayer_lowered:
.L_overlay_start_2:
0xcc: {  	(tag) =	ssettag $0x2  }
0xcd: {  	s0 =	rddreg [dreg:$0x0];
	s2 =	stileid.u32  }
0xce: {  	s1 =	rddreg [dreg:$0x1];
	p0 =	sne.s32 s2, $0x0  }
0xcf: {  	s3 =	rddreg [dreg:$0x2];
	[bflag:$0x3] =	sbarrier.arrive $0xFFFF;
	s2 =	simm.s32 @!p0 $0x1C03  }
0xd0: {  	[timem:s3], [sflag:s2] =	dma.local @!p0 [hbm:s0], s1  }
0xd1: {  	s0 =	simm.s32 @!p0 $0x3  }
0xd2: {  	_ =	swait.ge @!p0 [sflag:s0], s1  }
0xd3: {  	s1 =	ssub.s32 @!p0 $0x0, s1;
	[sflag:s0] =	ssyncset.done @!p0 $0x0  }
0xd4: {  	[sflag:s0] =	ssyncadd.s32 @!p0 s1  }
0xd5: {  	[bflag:$0x3] =	sbarrier.arrive $0xFFFF  }
0xd6: {  	_ =	shalt  }

// kernel: kernel.8.cloned.1.call-start
scs
__scs_entry_jumppad:
0x0: {  	(pc) =	sbr.rel $0x88, $3  }
0x1: {  	(tag) =	ssettag $0x0;
	lr =	simm.s32 $0x1  }
0x2: {  	[smem:$0x3F9B] =	sst lr;
	_ =	strace $0xD0000000  }
0x3: {  	_ = 	snop  }
0x4: {  	_ = 	snop  }
0x5: {  	_ = 	snop  }
0x6: {  	_ = 	snop  }
0x7: {  	_ = 	snop  }
__scs_overlays_trampoline_lowered:
0x8: {  	[smem:$0x3FAA] =	sst s0  }
0x9: {  	[smem:$0x3FAB] =	sst s1  }
0xa: {  	[smem:$0x3FAC] =	sst s2  }
0xb: {  	[smem:$0x3FAD] =	sst s3  }
0xc: {  	[smem:$0x3FAE] =	sst s4  }
0xd: {  	[smem:$0x3FAF] =	sst s5  }
0xe: {  	[smem:$0x3FB0] =	sst s6  }
0xf: {  	[smem:$0x3FB1] =	sst s7  }
0x10: {  	[smem:$0x3FB2] =	sst s8  }
0x11: {  	[smem:$0x3FB3] =	sst s9;
	s0 =	simm.s32 @!p0 $0x0  }
0x12: {  	s1 =	sld [smem:$0x3F99];
	s0 =	simm.s32 @p0 $0x1  }
0x13: {  	[smem:$0x3FB4] =	sst s0;
	s0 =	simm.s32 @!p1 $0x0  }
0x14: {  	s2 =	sld [smem:$0x3F98];
	s0 =	simm.s32 @p1 $0x1  }
0x15: {  	[smem:$0x3FB5] =	sst s0;
	s0 =	simm.s32 @!p2 $0x0  }
0x16: {  	s3 =	sld [smem:$0x3FDB];
	s0 =	simm.s32 @p2 $0x1  }
0x17: {  	s4 =	simm.s32 $0x1BF5;
	[smem:$0x3FB7] =	sst s0  }
0x18: {  	s0 =	sld [smem:$0x3F9A];
	_ =	swait.ge [sflag:s4], $0x0  }
0x19: {  	s7 =	sld [smem:$0x3F9B]  }
0x1a: {  	s8 =	sadd.s32 $0xFFFFE003, lr  }
0x1b: {  	s9 =	sadd.s32 $0xFFFFFEF7, lr;
	s5 =	simm.s32 $0xFFFFFFFF;
	p2 =	slt.u32 s8, $0xFFFFF086  }
0x1c: {  	p1 =	slt.u32 s9, $0xF7A;
	s5 =	simm.s32 @!p2 $0x0  }
0x1d: {  	s5 =	simm.s32 @p1 $0x1;
	p0 =	seq.s32 s7, s2  }
0x1e: {  	s7 =	smul.u32 @!p0 $0xF7A, s2;
	p2 =	seq.s32 @!p0 s5, $0x0  }
0x1f: {  	s9 =	smul.u32 $0xF7A, s1;
	s8 =	simm.s32 @!p0 $0x1BF5;
	p2 =	por !p2, p0  }
0x20: {  	[sflag:s8] =	ssyncset.s32 @!p0 $0xFFFFF086;
	s6 =	sadd.s32 @!p0 s3, s7;
	s7 =	simm.s32 @!p0 $0x108  }
0x21: {  	s3 =	sadd.s32 s3, s9;
	s6 =	sadd.s32 @!p0 $0x88, s6;
	s7 =	simm.s32 @p2 $0x1082  }
0x22: {  	[simem:s7], [sflag:s8] =	dma.local @!p0 [hbm:s6], $0xF7A  }
0x23: {  	s9 =	sor.u32 $0xD0000000, s2;
	s6 =	simm.s32 $0x108;
	_ =	swait.ge @!p0 [sflag:s8], $0x0  }
0x24: {  	s3 =	sadd.s32 $0x88, s3;
	s6 =	simm.s32 @!p1 $0x1082;
	[sflag:s4] =	ssyncset.s32 $0xFFFFF086  }
0x25: {  	[simem:s6], [sflag:s4] =	dma.local [hbm:s3], $0xF7A  }
0x26: {  	[smem:$0x3F9B] =	sst s1;
	(tag) =	ssettag s2;
	_ =	strace s9  }
0x27: {  	s1 =	sld [smem:$0x3FAB]  }
0x28: {  	s2 =	sld [smem:$0x3FAC]  }
0x29: {  	s4 =	sld [smem:$0x3FAE]  }
0x2a: {  	p0 =	seq.s32 s5, $0x0;
	s5 =	sld [smem:$0x3FAF]  }
0x2b: {  	s6 =	sld [smem:$0x3FB0]  }
0x2c: {  	s7 =	sld [smem:$0x3FB1]  }
0x2d: {  	s3 =	simm.s32 $0x108;
	s8 =	sld [smem:$0x3FB2]  }
0x2e: {  	s3 =	simm.s32 @!p0 $0x1082;
	s9 =	sld [smem:$0x3FB3]  }
0x2f: {  	lr =	sadd.s32 s0, s3;
	s0 =	sld [smem:$0x3FAA]  }
0x30: {  	s3 =	sld [smem:$0x3FAD]  }
0x31: {  	[smem:$0x3FB6] =	sst s10  }
0x32: {  	s10 =	sld [smem:$0x3FB4];
	_ =	sdelay $0x3  }
0x33: {  	p0 =	seq.s32 s10, $0x1;
	s10 =	sld [smem:$0x3FB6];
	_ =	sdelay $0x3  }
0x34: {  	[smem:$0x3FB6] =	sst s10  }
0x35: {  	s10 =	sld [smem:$0x3FB5];
	_ =	sdelay $0x3  }
0x36: {  	p1 =	seq.s32 s10, $0x1;
	s10 =	sld [smem:$0x3FB6];
	_ =	sdelay $0x3  }
0x37: {  	[smem:$0x3FB6] =	sst s10  }
0x38: {  	s10 =	sld [smem:$0x3FB7]  }
0x39: {  	_ = 	snop;
	(pc) =	sbr.ind lr, $3  }
0x3a: {  	_ = 	snop  }
0x3b: {  	_ = 	snop  }
0x3c: {  	p2 =	seq.s32 s10, $0x1;
	s10 =	sld [smem:$0x3FB6]  }
0x3d: {  	_ =	shalt  }
0x3e: {  	_ =	shalt  }
0x3f: {  	_ =	shalt  }
0x40: {  	_ =	shalt  }
0x41: {  	_ =	shalt  }
0x42: {  	_ =	shalt  }
0x43: {  	_ =	shalt  }
0x44: {  	_ =	shalt  }
0x45: {  	_ =	shalt  }
0x46: {  	_ =	shalt  }
0x47: {  	_ =	shalt  }
0x48: {  	_ =	shalt  }
0x49: {  	_ =	shalt  }
0x4a: {  	_ =	shalt  }
0x4b: {  	_ =	shalt  }
0x4c: {  	_ =	shalt  }
0x4d: {  	_ =	shalt  }
0x4e: {  	_ =	shalt  }
0x4f: {  	_ =	shalt  }
0x50: {  	_ =	shalt  }
0x51: {  	_ =	shalt  }
0x52: {  	_ =	shalt  }
0x53: {  	_ =	shalt  }
0x54: {  	_ =	shalt  }
0x55: {  	_ =	shalt  }
0x56: {  	_ =	shalt  }
0x57: {  	_ =	shalt  }
0x58: {  	_ =	shalt  }
0x59: {  	_ =	shalt  }
0x5a: {  	_ =	shalt  }
0x5b: {  	_ =	shalt  }
0x5c: {  	_ =	shalt  }
0x5d: {  	_ =	shalt  }
0x5e: {  	_ =	shalt  }
0x5f: {  	_ =	shalt  }
0x60: {  	_ =	shalt  }
0x61: {  	_ =	shalt  }
0x62: {  	_ =	shalt  }
0x63: {  	_ =	shalt  }
0x64: {  	_ =	shalt  }
0x65: {  	_ =	shalt  }
0x66: {  	_ =	shalt  }
0x67: {  	_ =	shalt  }
0x68: {  	_ =	shalt  }
0x69: {  	_ =	shalt  }
0x6a: {  	_ =	shalt  }
0x6b: {  	_ =	shalt  }
0x6c: {  	_ =	shalt  }
0x6d: {  	_ =	shalt  }
0x6e: {  	_ =	shalt  }
0x6f: {  	_ =	shalt  }
0x70: {  	_ =	shalt  }
0x71: {  	_ =	shalt  }
0x72: {  	_ =	shalt  }
0x73: {  	_ =	shalt  }
0x74: {  	_ =	shalt  }
0x75: {  	_ =	shalt  }
0x76: {  	_ =	shalt  }
0x77: {  	_ =	shalt  }
0x78: {  	_ =	shalt  }
0x79: {  	_ =	shalt  }
0x7a: {  	_ =	shalt  }
0x7b: {  	_ =	shalt  }
0x7c: {  	_ =	shalt  }
0x7d: {  	_ =	shalt  }
0x7e: {  	_ =	shalt  }
0x7f: {  	_ =	shalt  }
0x80: {  	_ =	shalt  }
0x81: {  	_ =	shalt  }
0x82: {  	_ =	shalt  }
0x83: {  	_ =	shalt  }
0x84: {  	_ =	shalt  }
0x85: {  	_ =	shalt  }
0x86: {  	_ =	shalt  }
0x87: {  	_ =	shalt  }
.Lfunc_end0:
.L_simem_size_0:
called_computation_lowered:
.L_overlay_start_0:
0x88: {  	s2 =	sld [smem:$0x3FD9]  }
0x89: {  	s3 =	sld [smem:$0x3FFE];
	_ =	sdelay $0x1  }
0x8a: {  	s1 =	srdreg.scid  }
0x8b: {  	s0 =	sand.u32 $0x1, s1  }
0x8c: {  	s17 =	sshll.u32 s0, $0xA;
	s2 =	sadd.s32 s3, s2  }
0x8d: {  	s2 =	sadd.s32 s2, s17  }
0x8e: {  	[smem:$0x3FC2] =	sst s2  }
0x8f: {  	_ = 	snop  }
0x90: {  	s2 =	sld [smem:$0x3FD0];
	(tm) =	ssettm $0x1  }
0x91: {  	s18 =	sld [smem:$0x3FFB];
	_ =	sdelay $0x3  }
0x92: {  	_ =	strace s18  }
0x93: {  	s3 =	sld [smem:$0x3FFC];
	_ =	sdelay $0x3  }
0x94: {  	_ =	strace s3  }
0x95: {  	s3 =	sld [smem:$0x3FFD];
	_ =	sdelay $0x3  }
0x96: {  	_ =	strace s3  }
0x97: {  	_ =	strace $0x8FFFFFFF  }
0x98: {  	s19 =	sld [smem:$0x3FDB];
	_ =	sdelay $0x1  }
0x99: {  	s4 =	simm.s32 $_scs_section_size  }
0x9a: {  	s5 =	simm.s32 $_size__tile_overlayer_lowered;
	s6 =	simm.s32 $_tile_overlayer_lowered  }
0x9b: {  	s22 =	simm.s32 $0x1BFF;
	s21 =	sshll.u32 s6, $0x1;
	s3 =	sadd.s32 s4, s19  }
0x9c: {  	s7 =	simm.s32 $0x0;
	s20 =	sshll.u32 s5, $0x1;
	s5 =	sadd.s32 s21, s3  }
0x9d: {  	[timem:s7], [sflag:s22] =	dma.local [hbm:s5], s20  }
0x9e: {  	_ =	swait.ge [sflag:s22], s20  }
0x9f: {  	s4 =	ssub.s32 $0x0, s20;
	[sflag:s22] =	ssyncset.done $0x0  }
0xa0: {  	[sflag:s22] =	ssyncadd.s32 s4;
	_ =	sdelay $0x1  }
0xa1: {  	s23 =	simm.s32 $0x1B8B  }
0xa2: {  	_ =	swait.ge [sflag:s23], $0x1  }
0xa3: {  	[sflag:s23] =	ssyncset.done $0x0  }
0xa4: {  	s25 =	simm.s32 $0x1B8E;
	s24 =	sld [smem:$0x3FFE];
	[sflag:s23] =	ssyncadd.s32 $0xFFFFFFFF  }
0xa5: {  	s26 =	simm.s32 $execute0_lowered;
	[smem:$0x3FD2] =	sst s25  }
0xa6: {  	s5 =	sshll.u32 s26, $0x1;
	_ =	strace $0x80000046;
	[dreg:$0x1] =	wrdreg $0xFFFFFFFF  }
0xa7: {  	s28 =	simm.s32 $_size_execute0_lowered;
	s3 =	sadd.s32 s3, s5;
	[dreg:$0x0] =	wrdreg $0x0  }
0xa8: {  	s5 =	sshll.u32 s28, $0x1;
	[dreg:$0x2] =	wrdreg s3  }
0xa9: {  	[dreg:$0x3] =	wrdreg s5  }
0xaa: {  	[dreg:$0x4] =	wrdreg $0xC0  }
0xab: {  	_ =	task [dreg:s7], $0x5FFFF  }
0xac: {  	[dreg:$0x1] =	wrdreg $0xFFFFFFFF  }
0xad: {  	[dreg:$0x0] =	wrdreg $0x60  }
0xae: {  	[dreg:$0x2] =	wrdreg s24  }
0xaf: {  	[dreg:$0x3] =	wrdreg s2  }
0xb0: {  	[dreg:$0x4] =	wrdreg $0x68000  }
0xb1: {  	[dreg:$0x5] =	wrdreg $0x9  }
0xb2: {  	_ =	task.clear_ibuf [dreg:s7], $0x6FFFF;
	_ =	strace $0x90000046  }
0xb3: {  	s29 =	simm.s32 $0x9;
	_ =	strace $0x80000048  }
0xb4: {  	_ =	swait.ge [sflag:s29], $0x1  }
0xb5: {  	[sflag:s29] =	ssyncadd.s32 $0xFFFFFFFF  }
0xb6: {  	_ =	strace $0x90000048  }
0xb7: {  	_ =	sfence  }
0xb8: {  	s30 =	sld [smem:$0x0];
	_ =	sdelay $0x2  }
0xb9: {  	s31 =	sshll.u32 s1, $0xD;
	s1 =	sshrl.u32 s1, $0x2  }
0xba: {  	s3 =	sand.u32 $0x4000, s31;
	s1 =	sadd.s32 s1, s30  }
0xbb: {  	s0 =	sor.u32 s3, s0;
	s1 =	sshll.u32 s1, $0x11  }
0xbc: {  	s0 =	sor.u32 s1, s0  }
0xbd: {  	s0 =	sadd.s32 $0x8F2B, s0  }
0xbe: {  	[sflag:s0] =	ssyncadd.remote.s32 $0x1  }
0xbf: {  	_ =	sfence.sel $0xFFFF  }
0xc0: {  	[dreg:$0x0] =	wrdreg $0xFFFFFFFF;
	(pc) =	sbr.abs _section_cstart, $3  }
0xc1: {  	[dreg:$0x1] =	wrdreg $0xFFFFFFFF  }
0xc2: {  	_ =	task.clear_ibuf [dreg:s7], $0x2FFFF;
	_ =	strace $0x9FFFFFFF  }
0xc3: {  	(tm) =	ssettm $0x7FFFFFFF  }
tec
execute0_lowered:
.L_overlay_start_1:
0x0: {  	(tag) =	ssettag $0x1  }
0x1: {  	s7 =	rddreg [dreg:$0x0]  }
0x2: {  	s2 =	rddreg [dreg:$0x1]  }
0x3: {  	s0 =	srdreg.scid;
	s3 =	rddreg [dreg:$0x2]  }
0x4: {  	s4 =	simm.s32 $0x0;
	s6 =	sand.u32 $0x1, s0;
	s0 =	stileid.u32  }
0x5: {  	s17 =	simm.s32 $0x80;
	s18 =	simm.s32 $0x0;
	s8 =	smul.u32 $0x2800, s0  }
0x6: {  	[smem:$0x7FF] =	sst s4;
	s1 =	sshll.u32 s6, $0x4;
	s9 =	smul.u32 $0x28000, s6  }
0x7: {  	s10 =	smul.u32 $0x50000, s0;
	s6 =	ssub.s32 $0x2, s6;
	s1 =	sor.u32 s0, s1  }
0x8: {  	s31 =	sshll.u32 s0, $0x6;
	s29 =	sshrl.u32 s6, $0x1;
	s5 =	smul.u32 $0x500, s1  }
0x9: {  	s1 =	rddreg [dreg:$0x3];
	_ =	strace $0x80000047;
	s8 =	sadd.s32 s8, s9  }
0xa: {  	s10 =	sshrl.u32 s10, $0x2;
	s30 =	ssub.s32 s6, s29;
	s9 =	simm.s32 $0x2800  }
0xb: {  	s12 =	sadd.s32 s10, s3;
	s10 =	simm.s32 $0x1;
	s11 =	sadd.s32 s5, s7  }
0xc: {  	s5 =	sadd.s32 $0x16600, s7;
	s7 =	sadd.s32 s8, s7;
	s13 =	sadd.s32 $0x4000, s12  }
0xd: {  	s14 =	sadd.s32 $0x8000, s12;
	s15 =	sadd.s32 $0xC000, s12;
	s16 =	sadd.s32 $0x10000, s12  }
0xe: {  	s8 =	smax.u32 s30, $0x1;
	s12 =	sshrl.u32 s12, $0x3;
	s6 =	sadd.s32 $0x2600, s11  }
0xf: {  	s7 =	sadd.s32 $0x16E00, s7;
	s11 =	sor.u32 $0x1C01, s31;
	s13 =	sshrl.u32 s13, $0x3  }
0x10: {  	s14 =	sshrl.u32 s14, $0x3;
	s15 =	sshrl.u32 s15, $0x3;
	s16 =	sshrl.u32 s16, $0x3  }
.LBB2_1:
0x11: {  	[tilespmem:s9], [sflag:$0x1] =	stream.linear.gather [hbm4b:s2+s4], $0x4000, $0x38;
	[tilespmem:$0x1A800] =	vst v63  }
0x12: {  	_ =	swait.ge [sflag:s10], $0x4000  }
0x13: {  	[sflag:s10] =	ssyncset.done $0x0  }
0x14: {  	[sflag:s10] =	ssyncadd.s32 $0xFFFFC000  }
0x15: {  	[spmem:s12], [sflag:s11] =	dma.local [hbm:s5], $0x800  }
0x16: {  	_ =	swait.ge [sflag:s10], $0x800  }
0x17: {  	[sflag:s10] =	ssyncset.done $0x0  }
0x18: {  	[sflag:s10] =	ssyncadd.s32 $0xFFFFF800  }
0x19: {  	[spmem:s13], [sflag:s11] =	dma.local [hbm:s5], $0x800  }
0x1a: {  	_ =	swait.ge [sflag:s10], $0x800  }
0x1b: {  	[sflag:s10] =	ssyncset.done $0x0  }
0x1c: {  	[sflag:s10] =	ssyncadd.s32 $0xFFFFF800  }
0x1d: {  	[spmem:s14], [sflag:s11] =	dma.local [hbm:s5], $0x800  }
0x1e: {  	_ =	swait.ge [sflag:s10], $0x800  }
0x1f: {  	[sflag:s10] =	ssyncset.done $0x0  }
0x20: {  	[sflag:s10] =	ssyncadd.s32 $0xFFFFF800  }
0x21: {  	[spmem:s15], [sflag:s11] =	dma.local [hbm:s5], $0x800  }
0x22: {  	_ =	swait.ge [sflag:s10], $0x800  }
0x23: {  	[sflag:s10] =	ssyncset.done $0x0  }
0x24: {  	[sflag:s10] =	ssyncadd.s32 $0xFFFFF800  }
0x25: {  	[spmem:s16], [sflag:s11] =	dma.local [hbm:s5], $0x800  }
0x26: {  	_ =	swait.ge [sflag:s10], $0x800  }
0x27: {  	[sflag:s10] =	ssyncset.done $0x0  }
0x28: {  	[sflag:s10] =	ssyncadd.s32 $0xFFFFF800  }
0x29: {  	[bflag:$0x0] =	sbarrier.arrive $0xFFFF  }
0x2a: {  	[tilespmem:s4], [sflag:$0x1] =	stream.linear.gather [hbm4b:s6+s4], $0x2800, $0x38;
	[tilespmem:$0x1A800] =	vst v63  }
0x2b: {  	_ =	swait.ge [sflag:s10], $0x2800  }
0x2c: {  	[sflag:s10] =	ssyncset.done $0x0  }
0x2d: {  	s19 =	simm.s32 $0x0;
	[sflag:s10] =	ssyncadd.s32 $0xFFFFD800  }
0x2e: {  	[spmem:s3] =	stream.indirect.scatter.add.f32 [tilespmem:s9], [sflag:$0x1], $0x80, s19, s17, $0xb8;
	[tilespmem:$0x1A800] =	vst v63  }
0x2f: {  	_ =	swait.ge [sflag:s10], $0x4000  }
0x30: {  	s19 =	simm.s32 $0x200;
	[sflag:s10] =	ssyncset.done $0x0  }
.LBB2_2:
0x31: {  	s20 =	sshra.s32 s19, $0x2;
	[sflag:s10] =	ssyncadd.s32 $0xFFFFC000;
	p0 =	sne.s32 s19, $0x9E00  }
0x32: {  	[spmem:s3] =	stream.indirect.scatter.add.f32 [tilespmem:s9], [sflag:$0x1], $0x80, s20, s17, $0xb8;
	[tilespmem:$0x1A800] =	vst v63  }
.Ltmp0:
0x33: {  	_ = 	snop;
	(pc) =	sbr.rel @p0 .LBB2_2-.Ltmp0, $4  }
0x34: {  	_ = 	snop  }
0x35: {  	s19 =	sadd.s32 $0x200, s19  }
0x36: {  	_ =	swait.ge [sflag:s10], $0x4000  }
0x37: {  	[sflag:s10] =	ssyncset.done $0x0  }
0x38: {  	s18 =	sadd.s32 $0x1, s18  }
0x39: {  	[sflag:s10] =	ssyncadd.s32 $0xFFFFC000;
	p0 =	sne.s32 s18, s8  }
.Ltmp1:
0x3a: {  	[bflag:$0x0] =	sbarrier.arrive $0xFFFF;
	(pc) =	sbr.rel @p0 .LBB2_1-.Ltmp1, $4  }
0x3b: {  	[hbm:s7], [sflag:s11] =	dma.local [spmem:s12], $0x2800  }
0x3c: {  	_ =	swait.ge [sflag:s10], $0x2800  }
0x3d: {  	[sflag:s10] =	ssyncset.done $0x0  }
0x3e: {  	[sflag:s10] =	ssyncadd.s32 $0xFFFFD800  }
0x3f: {  	_ =	sfence.sel $0x180000  }
0x40: {  	[bflag:$0x0] =	sbarrier.arrive $0xFFFF  }
0x41: {  	p0 =	sne.s32 s0, $0x0;
	_ =	strace $0x90000047  }
0x42: {  	s0 =	sadd.s32 @!p0 $0x100000, s1;
	[bflag:$0x2] =	sbarrier.arrive $0xFFFF  }
0x43: {  	[sflag:s0] =	ssyncadd.tile.s32 @!p0 $0x1;
	_ =	shalt  }
.Lfunc_end2:
_tile_overlayer_lowered:
.L_overlay_start_2:
0x44: {  	(tag) =	ssettag $0x2  }
0x45: {  	s0 =	rddreg [dreg:$0x0];
	s2 =	stileid.u32  }
0x46: {  	s1 =	rddreg [dreg:$0x1];
	p0 =	sne.s32 s2, $0x0  }
0x47: {  	s3 =	rddreg [dreg:$0x2];
	[bflag:$0x3] =	sbarrier.arrive $0xFFFF;
	s2 =	simm.s32 @!p0 $0x1C01  }
0x48: {  	[timem:s3], [sflag:s2] =	dma.local @!p0 [hbm:s0], s1  }
0x49: {  	s0 =	simm.s32 @!p0 $0x1  }
0x4a: {  	_ =	swait.ge @!p0 [sflag:s0], s1  }
0x4b: {  	s1 =	ssub.s32 @!p0 $0x0, s1;
	[sflag:s0] =	ssyncset.done @!p0 $0x0  }
0x4c: {  	[sflag:s0] =	ssyncadd.s32 @!p0 s1  }
0x4d: {  	[bflag:$0x3] =	sbarrier.arrive $0xFFFF  }
0x4e: {  	_ =	shalt  }

</sc_bundles>
